<compile_context>
chip_gen: v7x
topology: tpu7x:2x2x1
jax: 0.10.2.dev20260603
libtpu: 0.0.44.dev20260713+nightly
codegen_flags: <defaults>
</compile_context>

<pallas_src>
import functools

import jax
import jax.numpy as jnp
from jax import lax
from jax.experimental import pallas as pl
from jax.experimental.pallas import tpu as pltpu
from jax.experimental.pallas import tpu_sc as plsc

ANUM = 2
N_ETYPES = 8
E_HID = 64
C = 128
K = 16

_PREC = jax.lax.Precision.DEFAULT


def _dot(a, b):
    return jnp.dot(a, b, preferred_element_type=jnp.float32, precision=_PREC)


def _dense_body(pts_ref, knn_ref, We1_ref, be1_ref, We2_ref, be2_ref,
                Wg_ref, bg_ref, Wd_ref, bd_ref, out_ref):
    nb = pts_ref.shape[1]
    ctr = pts_ref[...]
    We1 = We1_ref[...]
    be1 = be1_ref[...]
    We2 = We2_ref[...]
    be2 = be2_ref[...]
    knnTs = []
    logits = []
    for k in range(K):
        pkT = knn_ref[k].T
        knnTs.append(pkT)
        h = jnp.maximum(_dot(We1, pkT - ctr) + be1, 0.0)
        logits.append(_dot(We2, h) + be2)
    L3 = jnp.concatenate(logits, axis=0).reshape(K, N_ETYPES, nb)
    m = jnp.max(L3, axis=1, keepdims=True)
    p = jnp.exp(L3 - m)
    s = jnp.sum(p, axis=1, keepdims=True)
    w3 = p / s
    aggs = []
    for t in range(N_ETYPES):
        acc = w3[0, t][None, :] * knnTs[0]
        for k in range(1, K):
            acc = acc + w3[k, t][None, :] * knnTs[k]
        aggs.append(acc)
    aggf = jnp.concatenate(aggs, axis=0) * (1.0 / K)
    for a in range(ANUM):
        msg = _dot(Wg_ref[a], aggf) + bg_ref[a]
        x = jnp.maximum(ctr + msg, 0.0)
        out_ref[a] = _dot(Wd_ref[a], x) + bd_ref[a]


def _dense_call(pts2, knn_planes, We1, be1c, We2, be2c, Wg, bgc, Wd, bdc, *, nb):
    n = pts2.shape[1]
    hid2 = Wd.shape[1]
    grid = (n // nb,)
    return pl.pallas_call(
        _dense_body,
        grid=grid,
        in_specs=[
            pl.BlockSpec((C, nb), lambda i: (0, i)),
            pl.BlockSpec((K, nb, C), lambda i: (0, i, 0)),
            pl.BlockSpec((E_HID, C), lambda i: (0, 0)),
            pl.BlockSpec((E_HID, 1), lambda i: (0, 0)),
            pl.BlockSpec((N_ETYPES, E_HID), lambda i: (0, 0)),
            pl.BlockSpec((N_ETYPES, 1), lambda i: (0, 0)),
            pl.BlockSpec((ANUM, C, N_ETYPES * C), lambda i: (0, 0, 0)),
            pl.BlockSpec((ANUM, C, 1), lambda i: (0, 0, 0)),
            pl.BlockSpec((ANUM, hid2, C), lambda i: (0, 0, 0)),
            pl.BlockSpec((ANUM, hid2, 1), lambda i: (0, 0, 0)),
        ],
        out_specs=pl.BlockSpec((ANUM, hid2, nb), lambda i: (0, 0, i)),
        out_shape=jax.ShapeDtypeStruct((ANUM, hid2, 10000), jnp.float32),
    )(pts2, knn_planes, We1, be1c, We2, be2c, Wg, bgc, Wd, bdc)


_NP = 10240
_CHUNK = 128
_NW = 32
_EP = K * _NP
_NCHUNKS = _EP // _CHUNK
_PAIR = _NCHUNKS // 16
_TRIP0 = 40
_TRIP1 = _PAIR - _TRIP0
_IDXPAD = 16 * _PAIR + _TRIP0


def _sc_gather(ptsT, gidx, sidx):
    mesh = plsc.VectorSubcoreMesh(core_axis_name="c", subcore_axis_name="s")

    NBUF = 4

    @functools.partial(
        pl.kernel,
        mesh=mesh,
        out_type=jax.ShapeDtypeStruct((_EP, C), jnp.float32),
        compiler_params=pltpu.CompilerParams(use_tc_tiling_on_sc=True),
        scratch_types=(
            [pltpu.VMEM((_TRIP0, _CHUNK), jnp.int32)] * 2
            + [pltpu.VMEM((_CHUNK, C), jnp.float32)] * NBUF
            + [pltpu.SemaphoreType.DMA] * (2 * NBUF)
        ),
    )
    def gkern(ptsT_hbm, gidx_hbm, sidx_hbm, out_hbm, gidx_v, sidx_v, *bufs):
        rows = bufs[:NBUF]
        gsem = bufs[NBUF:2 * NBUF]
        wsem = bufs[2 * NBUF:]
        cid = lax.axis_index("c")
        start = lax.axis_index("s") * _PAIR + cid * _TRIP0
        trip = jnp.where(cid == 0, _TRIP0, _TRIP1)
        pltpu.sync_copy(gidx_hbm.at[pl.ds(start, _TRIP0)], gidx_v)
        pltpu.sync_copy(sidx_hbm.at[pl.ds(start, _TRIP0)], sidx_v)

        def gather(b, ch):
            pltpu.async_copy(ptsT_hbm.at[gidx_v.at[ch]], rows[b], gsem[b])

        def gather_wait(b, ch):
            pltpu.make_async_copy(ptsT_hbm.at[gidx_v.at[ch]], rows[b], gsem[b]).wait()

        def write(b, ch):
            pltpu.async_copy(rows[b], out_hbm.at[sidx_v.at[ch]], wsem[b])

        def write_wait(b, ch):
            pltpu.make_async_copy(rows[b], out_hbm.at[sidx_v.at[ch]], wsem[b]).wait()

        for b in range(NBUF):
            gather(b, b)

        def step(j, carry):
            for b in range(NBUF):
                ch = NBUF * j + b
                gather_wait(b, ch)
                write(b, ch)
            for b in range(NBUF):
                ch = NBUF * j + b
                write_wait(b, ch)

                @pl.when(j < trip // NBUF - 1)
                def _():
                    gather(b, ch + NBUF)
            return carry

        lax.fori_loop(0, trip // NBUF, step, 0)

    return gkern(ptsT, gidx, sidx)


def _tc_transpose(pts2):
    NP = pts2.shape[1]
    nb = 512

    def body(x_ref, o_ref):
        o_ref[...] = x_ref[...].T

    return pl.pallas_call(
        body,
        grid=(NP // nb,),
        in_specs=[pl.BlockSpec((C, nb), lambda i: (0, i))],
        out_specs=pl.BlockSpec((nb, C), lambda i: (i, 0)),
        out_shape=jax.ShapeDtypeStruct((NP, C), jnp.float32),
    )(pts2)


def kernel(pts, nn_idx, We1, be1, We2, be2, Wg, bg, Wd, bd):
    B, c, N = pts.shape
    k = nn_idx.shape[-1]
    NP = _NP
    pts2 = jnp.pad(pts[0], ((0, 0), (0, NP - N)))
    ptsT = _tc_transpose(pts2)
    e = jnp.arange(_EP, dtype=jnp.int32)
    pad_rows = _IDXPAD * _CHUNK - _EP
    padv = jnp.arange(_EP - N * k, dtype=jnp.int32) % N
    gidx = jnp.pad(jnp.concatenate([nn_idx[0].reshape(N * k), padv]),
                   (0, pad_rows)).reshape(_IDXPAD, _CHUNK)
    sidx = jnp.pad((e & (k - 1)) * NP + (e >> 4),
                   (0, pad_rows)).reshape(_IDXPAD, _CHUNK)
    knn_planes = _sc_gather(ptsT, gidx, sidx).reshape(k, NP, c)
    out = _dense_call(
        pts2, knn_planes,
        We1, be1[:, None], We2, be2[:, None],
        Wg, bg[:, :, None], Wd, bd[:, :, None],
        nb=512,
    )
    return out[None, :, :, :, None]

# --- scband reference (transcript-rebuilt; emitter-appended) ---
"""Pipeline reference for scband-agent-select-35914516529838 (READ-ONLY COPY).

The authoritative reference and input builder live on the scoring server;
editing this copy changes nothing except your own understanding.
"""

import jax, jax.numpy as jnp
import numpy as np

ANUM = 2
N_ETYPES = 8
HIDDEN = [128, 128, 256]
E_HID = 64


def setup_inputs(seed: int = 0) -> dict:
    key = jax.random.key(seed)
    ks = jax.random.split(key, 12)
    B, C, N, K = 1, 128, 10000, 16
    pts = jax.random.normal(ks[0], (B, C, N), dtype=jnp.float32)
    nn_idx = jax.random.randint(ks[1], (B, N, K), 0, N, dtype=jnp.int32)
    We1 = jax.random.normal(ks[2], (E_HID, C), dtype=jnp.float32) / np.sqrt(C)
    be1 = jnp.zeros((E_HID,), jnp.float32)
    We2 = jax.random.normal(ks[3], (N_ETYPES, E_HID), dtype=jnp.float32) / np.sqrt(E_HID)
    be2 = jnp.zeros((N_ETYPES,), jnp.float32)
    Wg = jax.random.normal(ks[4], (ANUM, HIDDEN[1], N_ETYPES * HIDDEN[0]), dtype=jnp.float32) / np.sqrt(N_ETYPES * HIDDEN[0])
    bg = jnp.zeros((ANUM, HIDDEN[1]), jnp.float32)
    Wd = jax.random.normal(ks[5], (ANUM, HIDDEN[2], HIDDEN[1]), dtype=jnp.float32) / np.sqrt(HIDDEN[1])
    bd = jnp.zeros((ANUM, HIDDEN[2]), jnp.float32)
    return {"pts": pts, "nn_idx": nn_idx, "We1": We1, "be1": be1, "We2": We2, "be2": be2, "Wg": Wg, "bg": bg, "Wd": Wd, "bd": bd}


def _gather_nn(feat, idx):
    # feat [B, C, N], idx [B, N, K] -> [B, C, N, K]
    return jax.vmap(lambda f, i: f[:, i])(feat, idx)


def reference(pts, nn_idx, We1, be1, We2, be2, Wg, bg, Wd, bd):
    B, C, N = pts.shape
    K = nn_idx.shape[-1]
    A = ANUM
    # get_nn_node_feature: gather neighbor features along node dim
    pts_knn = _gather_nn(pts, nn_idx)                       # [B, C, N, K]
    # get_edge_feature: neighbor - center
    efeat = pts_knn - pts[:, :, :, None]                    # [B, C, N, K]
    # etype_net: 2-layer 1x1 conv MLP -> softmax over edge-type channel
    h = jnp.einsum('bcnk,hc->bhnk', efeat, We1) + be1[None, :, None, None]
    h = jax.nn.relu(h)
    logits = jnp.einsum('bhnk,th->btnk', h, We2) + be2[None, :, None, None]
    etype = jax.nn.softmax(logits, axis=1)                  # [B, T, N, K]
    # repeat over agents (unsqueeze(1).repeat(1, anum, ...))
    etype_a = jnp.repeat(etype[:, None], A, axis=1)         # [B, A, T, N, K]
    nn_idx_a = jnp.repeat(nn_idx[:, None], A, axis=1)       # [B, A, N, K]
    x = jnp.repeat(pts[:, None], A, axis=1)                 # [B, A, C, N]
    # layer 0: res_gnn_layer (nin == nout == 128)
    neigh = jax.vmap(jax.vmap(lambda f, i: f[:, i]))(x, nn_idx_a)   # [B, A, C, N, K]
    agg = jnp.einsum('batnk,bacnk->batcn', etype_a, neigh) / K      # [B, A, T, C, N]
    agg_f = agg.reshape(B, A, N_ETYPES * C, N)
    msg = jnp.einsum('bafn,aof->baon', agg_f, Wg) + bg[None, :, :, None]
    x = jax.nn.relu(x + msg)                                # residual + relu
    # layer 1: dim_change_conv 128 -> 256, withrelu=False (before_gnn already False)
    y = jnp.einsum('bacn,aoc->baon', x, Wd) + bd[None, :, :, None]  # [B, A, 256, N]
    return y[:, :, :, :, None]                              # [B, A, 256, N, 1]

if __name__ == "__main__":
    import jax
    _d = setup_inputs()
    print(jax.jit(kernel)(*tuple(_d.values())))

</pallas_src>

<mosaic_0001>
#map = affine_map<(d0, d1) -> (0, 0)>
module attributes {stable_mosaic.version = 14 : i64} {
  func.func @gkern(%arg0: i32, %arg1: i32, %arg2: memref<10240x128xf32, #tpu.memory_space<hbm>>, %arg3: memref<1320x128xi32, #tpu.memory_space<hbm>>, %arg4: memref<1320x128xi32, #tpu.memory_space<hbm>>, %arg5: memref<163840x128xf32, #tpu.memory_space<hbm>>, %arg6: memref<40x128xi32, #tpu.memory_space<vmem>>, %arg7: memref<40x128xi32, #tpu.memory_space<vmem>>, %arg8: memref<128x128xf32, #tpu.memory_space<vmem>>, %arg9: memref<128x128xf32, #tpu.memory_space<vmem>>, %arg10: memref<128x128xf32, #tpu.memory_space<vmem>>, %arg11: memref<128x128xf32, #tpu.memory_space<vmem>>, %arg12: memref<!tpu.dma_semaphore, #tpu.memory_space<semaphore_mem>>, %arg13: memref<!tpu.dma_semaphore, #tpu.memory_space<semaphore_mem>>, %arg14: memref<!tpu.dma_semaphore, #tpu.memory_space<semaphore_mem>>, %arg15: memref<!tpu.dma_semaphore, #tpu.memory_space<semaphore_mem>>, %arg16: memref<!tpu.dma_semaphore, #tpu.memory_space<semaphore_mem>>, %arg17: memref<!tpu.dma_semaphore, #tpu.memory_space<semaphore_mem>>, %arg18: memref<!tpu.dma_semaphore, #tpu.memory_space<semaphore_mem>>, %arg19: memref<!tpu.dma_semaphore, #tpu.memory_space<semaphore_mem>>) attributes {dimension_semantics = [#tpu.dimension_semantics<core_parallel>, #tpu.dimension_semantics<subcore_parallel>], iteration_bounds = array<i64: 2, 16>, scalar_prefetch = 0 : i64, scratch_operands = 14 : i64, tpu.core_type = #tpu.core_type<sc_vector_subcore>, window_params = [{transform_indices = #map}, {transform_indices = #map}, {transform_indices = #map}, {transform_indices = #map}]} {
    %mul3A = arith.constant 80 : i32
    %mul3A_0 = arith.muli %arg1, %mul3A : i32
    %mul3A_1 = arith.constant 40 : i32
    %mul3A_2 = arith.muli %arg0, %mul3A_1 : i32
    %add3A = arith.addi %mul3A_0, %mul3A_2 : i32
    %eq3A = arith.constant 0 : i32
    %eq3A_3 = arith.cmpi eq, %arg0, %eq3A : i32
    %jit3A = arith.constant 40 : i32
    %jit3A_4 = arith.constant 40 : i32
    %select_n3A = arith.select %eq3A_3, %jit3A, %jit3A_4 : i32
    "tpu.region"() ({
      %run_scoped3A = tpu.sem_alloc : memref<!tpu.dma_semaphore, #tpu.memory_space<semaphore_mem>>
      %dma_start3A_59 = arith.constant 0 : i32
      %dma_start3A_60 = tpu.memref_slice %arg3[%add3A, %dma_start3A_59] : memref<1320x128xi32, #tpu.memory_space<hbm>> -> memref<40x128xi32, #tpu.memory_space<hbm>>
      %dma_start3A_61 = arith.constant 0 : i32
      %dma_start3A_62 = tpu.memref_slice %arg3[%add3A, %dma_start3A_61] : memref<1320x128xi32, #tpu.memory_space<hbm>> -> memref<40x128xi32, #tpu.memory_space<hbm>>
      tpu.enqueue_dma source(%dma_start3A_62 : memref<40x128xi32, #tpu.memory_space<hbm>>) target(%arg6 : memref<40x128xi32, #tpu.memory_space<vmem>>) target_semaphore(%run_scoped3A : memref<!tpu.dma_semaphore, #tpu.memory_space<semaphore_mem>>)
      %dma_wait3A = arith.constant 0 : i32
      %dma_wait3A_63 = tpu.memref_slice %arg3[%add3A, %dma_wait3A] : memref<1320x128xi32, #tpu.memory_space<hbm>> -> memref<40x128xi32, #tpu.memory_space<hbm>>
      %dma_wait3A_64 = arith.constant 0 : i32
      %dma_wait3A_65 = tpu.memref_slice %arg3[%add3A, %dma_wait3A_64] : memref<1320x128xi32, #tpu.memory_space<hbm>> -> memref<40x128xi32, #tpu.memory_space<hbm>>
      tpu.wait_dma2 semaphore(%run_scoped3A : memref<!tpu.dma_semaphore, #tpu.memory_space<semaphore_mem>>) src(%dma_wait3A_65 : memref<40x128xi32, #tpu.memory_space<hbm>>) dst(%arg6 : memref<40x128xi32, #tpu.memory_space<vmem>>)
      tpu.yield
    }) : () -> ()
    "tpu.region"() ({
      %run_scoped3A = tpu.sem_alloc : memref<!tpu.dma_semaphore, #tpu.memory_space<semaphore_mem>>
      %dma_start3A_59 = arith.constant 0 : i32
      %dma_start3A_60 = tpu.memref_slice %arg4[%add3A, %dma_start3A_59] : memref<1320x128xi32, #tpu.memory_space<hbm>> -> memref<40x128xi32, #tpu.memory_space<hbm>>
      %dma_start3A_61 = arith.constant 0 : i32
      %dma_start3A_62 = tpu.memref_slice %arg4[%add3A, %dma_start3A_61] : memref<1320x128xi32, #tpu.memory_space<hbm>> -> memref<40x128xi32, #tpu.memory_space<hbm>>
      tpu.enqueue_dma source(%dma_start3A_62 : memref<40x128xi32, #tpu.memory_space<hbm>>) target(%arg7 : memref<40x128xi32, #tpu.memory_space<vmem>>) target_semaphore(%run_scoped3A : memref<!tpu.dma_semaphore, #tpu.memory_space<semaphore_mem>>)
      %dma_wait3A = arith.constant 0 : i32
      %dma_wait3A_63 = tpu.memref_slice %arg4[%add3A, %dma_wait3A] : memref<1320x128xi32, #tpu.memory_space<hbm>> -> memref<40x128xi32, #tpu.memory_space<hbm>>
      %dma_wait3A_64 = arith.constant 0 : i32
      %dma_wait3A_65 = tpu.memref_slice %arg4[%add3A, %dma_wait3A_64] : memref<1320x128xi32, #tpu.memory_space<hbm>> -> memref<40x128xi32, #tpu.memory_space<hbm>>
      tpu.wait_dma2 semaphore(%run_scoped3A : memref<!tpu.dma_semaphore, #tpu.memory_space<semaphore_mem>>) src(%dma_wait3A_65 : memref<40x128xi32, #tpu.memory_space<hbm>>) dst(%arg7 : memref<40x128xi32, #tpu.memory_space<vmem>>)
      tpu.yield
    }) : () -> ()
    %dma_start3A = arith.constant 0 : i32
    %dma_start3A_5 = arith.constant 0 : i32
    %dma_start3A_6 = tpu.memref_slice %arg6[%dma_start3A, %dma_start3A_5] : memref<40x128xi32, #tpu.memory_space<vmem>> -> memref<1x128xi32, #tpu.memory_space<vmem>>
    %dma_start3A_7 = tpu.memref_squeeze %dma_start3A_6 : memref<1x128xi32, #tpu.memory_space<vmem>> -> memref<128xi32, #tpu.memory_space<vmem>>
    %dma_start3A_8 = arith.constant 0 : i32
    %dma_start3A_9 = arith.constant 0 : i32
    %dma_start3A_10 = tpu.memref_slice %arg2[%dma_start3A_8, %dma_start3A_9] : memref<10240x128xf32, #tpu.memory_space<hbm>> -> memref<10240x128xf32, #tpu.memory_space<hbm>>
    tpu.enqueue_indirect_dma source(%dma_start3A_10 : memref<10240x128xf32, #tpu.memory_space<hbm>>) target(%arg8 : memref<128x128xf32, #tpu.memory_space<vmem>>) offsets(%dma_start3A_7 : memref<128xi32, #tpu.memory_space<vmem>>) semaphore(%arg12 : memref<!tpu.dma_semaphore, #tpu.memory_space<semaphore_mem>>)
    %dma_start3A_11 = arith.constant 1 : i32
    %dma_start3A_12 = arith.constant 0 : i32
    %dma_start3A_13 = tpu.memref_slice %arg6[%dma_start3A_11, %dma_start3A_12] : memref<40x128xi32, #tpu.memory_space<vmem>> -> memref<1x128xi32, #tpu.memory_space<vmem>>
    %dma_start3A_14 = tpu.memref_squeeze %dma_start3A_13 : memref<1x128xi32, #tpu.memory_space<vmem>> -> memref<128xi32, #tpu.memory_space<vmem>>
    %dma_start3A_15 = arith.constant 0 : i32
    %dma_start3A_16 = arith.constant 0 : i32
    %dma_start3A_17 = tpu.memref_slice %arg2[%dma_start3A_15, %dma_start3A_16] : memref<10240x128xf32, #tpu.memory_space<hbm>> -> memref<10240x128xf32, #tpu.memory_space<hbm>>
    tpu.enqueue_indirect_dma source(%dma_start3A_17 : memref<10240x128xf32, #tpu.memory_space<hbm>>) target(%arg9 : memref<128x128xf32, #tpu.memory_space<vmem>>) offsets(%dma_start3A_14 : memref<128xi32, #tpu.memory_space<vmem>>) semaphore(%arg13 : memref<!tpu.dma_semaphore, #tpu.memory_space<semaphore_mem>>)
    %dma_start3A_18 = arith.constant 2 : i32
    %dma_start3A_19 = arith.constant 0 : i32
    %dma_start3A_20 = tpu.memref_slice %arg6[%dma_start3A_18, %dma_start3A_19] : memref<40x128xi32, #tpu.memory_space<vmem>> -> memref<1x128xi32, #tpu.memory_space<vmem>>
    %dma_start3A_21 = tpu.memref_squeeze %dma_start3A_20 : memref<1x128xi32, #tpu.memory_space<vmem>> -> memref<128xi32, #tpu.memory_space<vmem>>
    %dma_start3A_22 = arith.constant 0 : i32
    %dma_start3A_23 = arith.constant 0 : i32
    %dma_start3A_24 = tpu.memref_slice %arg2[%dma_start3A_22, %dma_start3A_23] : memref<10240x128xf32, #tpu.memory_space<hbm>> -> memref<10240x128xf32, #tpu.memory_space<hbm>>
    tpu.enqueue_indirect_dma source(%dma_start3A_24 : memref<10240x128xf32, #tpu.memory_space<hbm>>) target(%arg10 : memref<128x128xf32, #tpu.memory_space<vmem>>) offsets(%dma_start3A_21 : memref<128xi32, #tpu.memory_space<vmem>>) semaphore(%arg14 : memref<!tpu.dma_semaphore, #tpu.memory_space<semaphore_mem>>)
    %dma_start3A_25 = arith.constant 3 : i32
    %dma_start3A_26 = arith.constant 0 : i32
    %dma_start3A_27 = tpu.memref_slice %arg6[%dma_start3A_25, %dma_start3A_26] : memref<40x128xi32, #tpu.memory_space<vmem>> -> memref<1x128xi32, #tpu.memory_space<vmem>>
    %dma_start3A_28 = tpu.memref_squeeze %dma_start3A_27 : memref<1x128xi32, #tpu.memory_space<vmem>> -> memref<128xi32, #tpu.memory_space<vmem>>
    %dma_start3A_29 = arith.constant 0 : i32
    %dma_start3A_30 = arith.constant 0 : i32
    %dma_start3A_31 = tpu.memref_slice %arg2[%dma_start3A_29, %dma_start3A_30] : memref<10240x128xf32, #tpu.memory_space<hbm>> -> memref<10240x128xf32, #tpu.memory_space<hbm>>
    tpu.enqueue_indirect_dma source(%dma_start3A_31 : memref<10240x128xf32, #tpu.memory_space<hbm>>) target(%arg11 : memref<128x128xf32, #tpu.memory_space<vmem>>) offsets(%dma_start3A_28 : memref<128xi32, #tpu.memory_space<vmem>>) semaphore(%arg15 : memref<!tpu.dma_semaphore, #tpu.memory_space<semaphore_mem>>)
    %jit3A_32 = arith.constant 4 : i32
    %div3A = arith.divsi %select_n3A, %jit3A_32 : i32
    %sign3A = arith.constant 0 : i32
    %sign3A_33 = arith.cmpi sgt, %select_n3A, %sign3A : i32
    %sign3A_34 = arith.extui %sign3A_33 : i1 to i32
    %sign3A_35 = arith.constant 0 : i32
    %sign3A_36 = arith.cmpi slt, %select_n3A, %sign3A_35 : i32
    %sign3A_37 = arith.extui %sign3A_36 : i1 to i32
    %sign3A_38 = arith.subi %sign3A_34, %sign3A_37 : i32
    %sign3A_39 = arith.constant 0 : i32
    %sign3A_40 = arith.cmpi sgt, %jit3A_32, %sign3A_39 : i32
    %sign3A_41 = arith.extui %sign3A_40 : i1 to i32
    %sign3A_42 = arith.constant 0 : i32
    %sign3A_43 = arith.cmpi slt, %jit3A_32, %sign3A_42 : i32
    %sign3A_44 = arith.extui %sign3A_43 : i1 to i32
    %sign3A_45 = arith.subi %sign3A_41, %sign3A_44 : i32
    %ne3A = arith.cmpi ne, %sign3A_38, %sign3A_45 : i32
    %rem3A = arith.remsi %select_n3A, %jit3A_32 : i32
    %ne3A_46 = arith.constant 0 : i32
    %ne3A_47 = arith.cmpi ne, %rem3A, %ne3A_46 : i32
    %and3A = arith.andi %ne3A, %ne3A_47 : i1
    %sub3A = arith.constant 1 : i32
    %sub3A_48 = arith.subi %div3A, %sub3A : i32
    %select_n3A_49 = arith.select %and3A, %sub3A_48, %div3A : i32
    %while3A = arith.constant 0 : i32
    %while3A_50 = arith.constant 0 : i32
    %while3A_51 = arith.subi %select_n3A_49, %while3A_50 : i32
    %while3A_52 = arith.addi %while3A_50, %while3A_51 : i32
    %while3A_53 = arith.constant 1 : i32
    %while3A_54 = arith.divsi %while3A_51, %while3A_53 : i32
    %while3A_55 = arith.muli %while3A_54, %while3A_53 : i32
    %while3A_56 = arith.addi %while3A_50, %while3A_55 : i32
    %while3A_57 = arith.constant 1 : i32
    scf.for %while3A_59 = %while3A_50 to %while3A_56 step %while3A_57  : i32 {
      %mul3A_60 = arith.constant 4 : i32
      %mul3A_61 = arith.muli %mul3A_60, %while3A_59 : i32
      %add3A_62 = arith.constant 0 : i32
      %add3A_63 = arith.addi %mul3A_61, %add3A_62 : i32
      %dma_wait3A = arith.constant 0 : i32
      %dma_wait3A_64 = tpu.memref_slice %arg6[%add3A_63, %dma_wait3A] : memref<40x128xi32, #tpu.memory_space<vmem>> -> memref<1x128xi32, #tpu.memory_space<vmem>>
      %dma_wait3A_65 = tpu.memref_squeeze %dma_wait3A_64 : memref<1x128xi32, #tpu.memory_space<vmem>> -> memref<128xi32, #tpu.memory_space<vmem>>
      %dma_wait3A_66 = arith.constant 0 : i32
      %dma_wait3A_67 = arith.constant 0 : i32
      %dma_wait3A_68 = tpu.memref_slice %arg2[%dma_wait3A_66, %dma_wait3A_67] : memref<10240x128xf32, #tpu.memory_space<hbm>> -> memref<10240x128xf32, #tpu.memory_space<hbm>>
      tpu.wait_indirect_dma semaphore(%arg12 : memref<!tpu.dma_semaphore, #tpu.memory_space<semaphore_mem>>) src(%dma_wait3A_68 : memref<10240x128xf32, #tpu.memory_space<hbm>>) dst(%arg8 : memref<128x128xf32, #tpu.memory_space<vmem>>)
      %dma_start3A_69 = arith.constant 0 : i32
      %dma_start3A_70 = tpu.memref_slice %arg7[%add3A_63, %dma_start3A_69] : memref<40x128xi32, #tpu.memory_space<vmem>> -> memref<1x128xi32, #tpu.memory_space<vmem>>
      %dma_start3A_71 = tpu.memref_squeeze %dma_start3A_70 : memref<1x128xi32, #tpu.memory_space<vmem>> -> memref<128xi32, #tpu.memory_space<vmem>>
      %dma_start3A_72 = arith.constant 0 : i32
      %dma_start3A_73 = arith.constant 0 : i32
      %dma_start3A_74 = tpu.memref_slice %arg5[%dma_start3A_72, %dma_start3A_73] : memref<163840x128xf32, #tpu.memory_space<hbm>> -> memref<163840x128xf32, #tpu.memory_space<hbm>>
      tpu.enqueue_indirect_dma source(%arg8 : memref<128x128xf32, #tpu.memory_space<vmem>>) target(%dma_start3A_74 : memref<163840x128xf32, #tpu.memory_space<hbm>>) offsets(%dma_start3A_71 : memref<128xi32, #tpu.memory_space<vmem>>) semaphore(%arg16 : memref<!tpu.dma_semaphore, #tpu.memory_space<semaphore_mem>>)
      %mul3A_75 = arith.constant 4 : i32
      %mul3A_76 = arith.muli %mul3A_75, %while3A_59 : i32
      %add3A_77 = arith.constant 1 : i32
      %add3A_78 = arith.addi %mul3A_76, %add3A_77 : i32
      %dma_wait3A_79 = arith.constant 0 : i32
      %dma_wait3A_80 = tpu.memref_slice %arg6[%add3A_78, %dma_wait3A_79] : memref<40x128xi32, #tpu.memory_space<vmem>> -> memref<1x128xi32, #tpu.memory_space<vmem>>
      %dma_wait3A_81 = tpu.memref_squeeze %dma_wait3A_80 : memref<1x128xi32, #tpu.memory_space<vmem>> -> memref<128xi32, #tpu.memory_space<vmem>>
      %dma_wait3A_82 = arith.constant 0 : i32
      %dma_wait3A_83 = arith.constant 0 : i32
      %dma_wait3A_84 = tpu.memref_slice %arg2[%dma_wait3A_82, %dma_wait3A_83] : memref<10240x128xf32, #tpu.memory_space<hbm>> -> memref<10240x128xf32, #tpu.memory_space<hbm>>
      tpu.wait_indirect_dma semaphore(%arg13 : memref<!tpu.dma_semaphore, #tpu.memory_space<semaphore_mem>>) src(%dma_wait3A_84 : memref<10240x128xf32, #tpu.memory_space<hbm>>) dst(%arg9 : memref<128x128xf32, #tpu.memory_space<vmem>>)
      %dma_start3A_85 = arith.constant 0 : i32
      %dma_start3A_86 = tpu.memref_slice %arg7[%add3A_78, %dma_start3A_85] : memref<40x128xi32, #tpu.memory_space<vmem>> -> memref<1x128xi32, #tpu.memory_space<vmem>>
      %dma_start3A_87 = tpu.memref_squeeze %dma_start3A_86 : memref<1x128xi32, #tpu.memory_space<vmem>> -> memref<128xi32, #tpu.memory_space<vmem>>
      %dma_start3A_88 = arith.constant 0 : i32
      %dma_start3A_89 = arith.constant 0 : i32
      %dma_start3A_90 = tpu.memref_slice %arg5[%dma_start3A_88, %dma_start3A_89] : memref<163840x128xf32, #tpu.memory_space<hbm>> -> memref<163840x128xf32, #tpu.memory_space<hbm>>
      tpu.enqueue_indirect_dma source(%arg9 : memref<128x128xf32, #tpu.memory_space<vmem>>) target(%dma_start3A_90 : memref<163840x128xf32, #tpu.memory_space<hbm>>) offsets(%dma_start3A_87 : memref<128xi32, #tpu.memory_space<vmem>>) semaphore(%arg17 : memref<!tpu.dma_semaphore, #tpu.memory_space<semaphore_mem>>)
      %mul3A_91 = arith.constant 4 : i32
      %mul3A_92 = arith.muli %mul3A_91, %while3A_59 : i32
      %add3A_93 = arith.constant 2 : i32
      %add3A_94 = arith.addi %mul3A_92, %add3A_93 : i32
      %dma_wait3A_95 = arith.constant 0 : i32
      %dma_wait3A_96 = tpu.memref_slice %arg6[%add3A_94, %dma_wait3A_95] : memref<40x128xi32, #tpu.memory_space<vmem>> -> memref<1x128xi32, #tpu.memory_space<vmem>>
      %dma_wait3A_97 = tpu.memref_squeeze %dma_wait3A_96 : memref<1x128xi32, #tpu.memory_space<vmem>> -> memref<128xi32, #tpu.memory_space<vmem>>
      %dma_wait3A_98 = arith.constant 0 : i32
      %dma_wait3A_99 = arith.constant 0 : i32
      %dma_wait3A_100 = tpu.memref_slice %arg2[%dma_wait3A_98, %dma_wait3A_99] : memref<10240x128xf32, #tpu.memory_space<hbm>> -> memref<10240x128xf32, #tpu.memory_space<hbm>>
      tpu.wait_indirect_dma semaphore(%arg14 : memref<!tpu.dma_semaphore, #tpu.memory_space<semaphore_mem>>) src(%dma_wait3A_100 : memref<10240x128xf32, #tpu.memory_space<hbm>>) dst(%arg10 : memref<128x128xf32, #tpu.memory_space<vmem>>)
      %dma_start3A_101 = arith.constant 0 : i32
      %dma_start3A_102 = tpu.memref_slice %arg7[%add3A_94, %dma_start3A_101] : memref<40x128xi32, #tpu.memory_space<vmem>> -> memref<1x128xi32, #tpu.memory_space<vmem>>
      %dma_start3A_103 = tpu.memref_squeeze %dma_start3A_102 : memref<1x128xi32, #tpu.memory_space<vmem>> -> memref<128xi32, #tpu.memory_space<vmem>>
      %dma_start3A_104 = arith.constant 0 : i32
      %dma_start3A_105 = arith.constant 0 : i32
      %dma_start3A_106 = tpu.memref_slice %arg5[%dma_start3A_104, %dma_start3A_105] : memref<163840x128xf32, #tpu.memory_space<hbm>> -> memref<163840x128xf32, #tpu.memory_space<hbm>>
      tpu.enqueue_indirect_dma source(%arg10 : memref<128x128xf32, #tpu.memory_space<vmem>>) target(%dma_start3A_106 : memref<163840x128xf32, #tpu.memory_space<hbm>>) offsets(%dma_start3A_103 : memref<128xi32, #tpu.memory_space<vmem>>) semaphore(%arg18 : memref<!tpu.dma_semaphore, #tpu.memory_space<semaphore_mem>>)
      %mul3A_107 = arith.constant 4 : i32
      %mul3A_108 = arith.muli %mul3A_107, %while3A_59 : i32
      %add3A_109 = arith.constant 3 : i32
      %add3A_110 = arith.addi %mul3A_108, %add3A_109 : i32
      %dma_wait3A_111 = arith.constant 0 : i32
      %dma_wait3A_112 = tpu.memref_slice %arg6[%add3A_110, %dma_wait3A_111] : memref<40x128xi32, #tpu.memory_space<vmem>> -> memref<1x128xi32, #tpu.memory_space<vmem>>
      %dma_wait3A_113 = tpu.memref_squeeze %dma_wait3A_112 : memref<1x128xi32, #tpu.memory_space<vmem>> -> memref<128xi32, #tpu.memory_space<vmem>>
      %dma_wait3A_114 = arith.constant 0 : i32
      %dma_wait3A_115 = arith.constant 0 : i32
      %dma_wait3A_116 = tpu.memref_slice %arg2[%dma_wait3A_114, %dma_wait3A_115] : memref<10240x128xf32, #tpu.memory_space<hbm>> -> memref<10240x128xf32, #tpu.memory_space<hbm>>
      tpu.wait_indirect_dma semaphore(%arg15 : memref<!tpu.dma_semaphore, #tpu.memory_space<semaphore_mem>>) src(%dma_wait3A_116 : memref<10240x128xf32, #tpu.memory_space<hbm>>) dst(%arg11 : memref<128x128xf32, #tpu.memory_space<vmem>>)
      %dma_start3A_117 = arith.constant 0 : i32
      %dma_start3A_118 = tpu.memref_slice %arg7[%add3A_110, %dma_start3A_117] : memref<40x128xi32, #tpu.memory_space<vmem>> -> memref<1x128xi32, #tpu.memory_space<vmem>>
      %dma_start3A_119 = tpu.memref_squeeze %dma_start3A_118 : memref<1x128xi32, #tpu.memory_space<vmem>> -> memref<128xi32, #tpu.memory_space<vmem>>
      %dma_start3A_120 = arith.constant 0 : i32
      %dma_start3A_121 = arith.constant 0 : i32
      %dma_start3A_122 = tpu.memref_slice %arg5[%dma_start3A_120, %dma_start3A_121] : memref<163840x128xf32, #tpu.memory_space<hbm>> -> memref<163840x128xf32, #tpu.memory_space<hbm>>
      tpu.enqueue_indirect_dma source(%arg11 : memref<128x128xf32, #tpu.memory_space<vmem>>) target(%dma_start3A_122 : memref<163840x128xf32, #tpu.memory_space<hbm>>) offsets(%dma_start3A_119 : memref<128xi32, #tpu.memory_space<vmem>>) semaphore(%arg19 : memref<!tpu.dma_semaphore, #tpu.memory_space<semaphore_mem>>)
      %mul3A_123 = arith.constant 4 : i32
      %mul3A_124 = arith.muli %mul3A_123, %while3A_59 : i32
      %add3A_125 = arith.constant 0 : i32
      %add3A_126 = arith.addi %mul3A_124, %add3A_125 : i32
      %dma_wait3A_127 = arith.constant 0 : i32
      %dma_wait3A_128 = tpu.memref_slice %arg7[%add3A_126, %dma_wait3A_127] : memref<40x128xi32, #tpu.memory_space<vmem>> -> memref<1x128xi32, #tpu.memory_space<vmem>>
      %dma_wait3A_129 = tpu.memref_squeeze %dma_wait3A_128 : memref<1x128xi32, #tpu.memory_space<vmem>> -> memref<128xi32, #tpu.memory_space<vmem>>
      %dma_wait3A_130 = arith.constant 0 : i32
      %dma_wait3A_131 = arith.constant 0 : i32
      %dma_wait3A_132 = tpu.memref_slice %arg5[%dma_wait3A_130, %dma_wait3A_131] : memref<163840x128xf32, #tpu.memory_space<hbm>> -> memref<163840x128xf32, #tpu.memory_space<hbm>>
      tpu.wait_indirect_dma semaphore(%arg16 : memref<!tpu.dma_semaphore, #tpu.memory_space<semaphore_mem>>) src(%arg8 : memref<128x128xf32, #tpu.memory_space<vmem>>) dst(%dma_wait3A_132 : memref<163840x128xf32, #tpu.memory_space<hbm>>)
      %jit3A_133 = arith.constant 4 : i32
      %div3A_134 = arith.divsi %select_n3A, %jit3A_133 : i32
      %sign3A_135 = arith.constant 0 : i32
      %sign3A_136 = arith.cmpi sgt, %select_n3A, %sign3A_135 : i32
      %sign3A_137 = arith.extui %sign3A_136 : i1 to i32
      %sign3A_138 = arith.constant 0 : i32
      %sign3A_139 = arith.cmpi slt, %select_n3A, %sign3A_138 : i32
      %sign3A_140 = arith.extui %sign3A_139 : i1 to i32
      %sign3A_141 = arith.subi %sign3A_137, %sign3A_140 : i32
      %sign3A_142 = arith.constant 0 : i32
      %sign3A_143 = arith.cmpi sgt, %jit3A_133, %sign3A_142 : i32
      %sign3A_144 = arith.extui %sign3A_143 : i1 to i32
      %sign3A_145 = arith.constant 0 : i32
      %sign3A_146 = arith.cmpi slt, %jit3A_133, %sign3A_145 : i32
      %sign3A_147 = arith.extui %sign3A_146 : i1 to i32
      %sign3A_148 = arith.subi %sign3A_144, %sign3A_147 : i32
      %ne3A_149 = arith.cmpi ne, %sign3A_141, %sign3A_148 : i32
      %rem3A_150 = arith.remsi %select_n3A, %jit3A_133 : i32
      %ne3A_151 = arith.constant 0 : i32
      %ne3A_152 = arith.cmpi ne, %rem3A_150, %ne3A_151 : i32
      %and3A_153 = arith.andi %ne3A_149, %ne3A_152 : i1
      %sub3A_154 = arith.constant 1 : i32
      %sub3A_155 = arith.subi %div3A_134, %sub3A_154 : i32
      %select_n3A_156 = arith.select %and3A_153, %sub3A_155, %div3A_134 : i32
      %sub3A_157 = arith.constant 1 : i32
      %sub3A_158 = arith.subi %select_n3A_156, %sub3A_157 : i32
      %lt3A = arith.cmpi slt, %while3A_59, %sub3A_158 : i32
      %convert_element_type3A = arith.extui %lt3A : i1 to i32
      %cond3A = arith.constant 0 : i32
      %cond3A_159 = arith.cmpi ne, %convert_element_type3A, %cond3A : i32
      scf.if %cond3A_159 {
        %add3A_280 = arith.constant 4 : i32
        %add3A_281 = arith.addi %add3A_126, %add3A_280 : i32
        %dma_start3A_282 = arith.constant 0 : i32
        %dma_start3A_283 = tpu.memref_slice %arg6[%add3A_281, %dma_start3A_282] : memref<40x128xi32, #tpu.memory_space<vmem>> -> memref<1x128xi32, #tpu.memory_space<vmem>>
        %dma_start3A_284 = tpu.memref_squeeze %dma_start3A_283 : memref<1x128xi32, #tpu.memory_space<vmem>> -> memref<128xi32, #tpu.memory_space<vmem>>
        %dma_start3A_285 = arith.constant 0 : i32
        %dma_start3A_286 = arith.constant 0 : i32
        %dma_start3A_287 = tpu.memref_slice %arg2[%dma_start3A_285, %dma_start3A_286] : memref<10240x128xf32, #tpu.memory_space<hbm>> -> memref<10240x128xf32, #tpu.memory_space<hbm>>
        tpu.enqueue_indirect_dma source(%dma_start3A_287 : memref<10240x128xf32, #tpu.memory_space<hbm>>) target(%arg8 : memref<128x128xf32, #tpu.memory_space<vmem>>) offsets(%dma_start3A_284 : memref<128xi32, #tpu.memory_space<vmem>>) semaphore(%arg12 : memref<!tpu.dma_semaphore, #tpu.memory_space<semaphore_mem>>)
      } else {
      }
      %mul3A_160 = arith.constant 4 : i32
      %mul3A_161 = arith.muli %mul3A_160, %while3A_59 : i32
      %add3A_162 = arith.constant 1 : i32
      %add3A_163 = arith.addi %mul3A_161, %add3A_162 : i32
      %dma_wait3A_164 = arith.constant 0 : i32
      %dma_wait3A_165 = tpu.memref_slice %arg7[%add3A_163, %dma_wait3A_164] : memref<40x128xi32, #tpu.memory_space<vmem>> -> memref<1x128xi32, #tpu.memory_space<vmem>>
      %dma_wait3A_166 = tpu.memref_squeeze %dma_wait3A_165 : memref<1x128xi32, #tpu.memory_space<vmem>> -> memref<128xi32, #tpu.memory_space<vmem>>
      %dma_wait3A_167 = arith.constant 0 : i32
      %dma_wait3A_168 = arith.constant 0 : i32
      %dma_wait3A_169 = tpu.memref_slice %arg5[%dma_wait3A_167, %dma_wait3A_168] : memref<163840x128xf32, #tpu.memory_space<hbm>> -> memref<163840x128xf32, #tpu.memory_space<hbm>>
      tpu.wait_indirect_dma semaphore(%arg17 : memref<!tpu.dma_semaphore, #tpu.memory_space<semaphore_mem>>) src(%arg9 : memref<128x128xf32, #tpu.memory_space<vmem>>) dst(%dma_wait3A_169 : memref<163840x128xf32, #tpu.memory_space<hbm>>)
      %jit3A_170 = arith.constant 4 : i32
      %div3A_171 = arith.divsi %select_n3A, %jit3A_170 : i32
      %sign3A_172 = arith.constant 0 : i32
      %sign3A_173 = arith.cmpi sgt, %select_n3A, %sign3A_172 : i32
      %sign3A_174 = arith.extui %sign3A_173 : i1 to i32
      %sign3A_175 = arith.constant 0 : i32
      %sign3A_176 = arith.cmpi slt, %select_n3A, %sign3A_175 : i32
      %sign3A_177 = arith.extui %sign3A_176 : i1 to i32
      %sign3A_178 = arith.subi %sign3A_174, %sign3A_177 : i32
      %sign3A_179 = arith.constant 0 : i32
      %sign3A_180 = arith.cmpi sgt, %jit3A_170, %sign3A_179 : i32
      %sign3A_181 = arith.extui %sign3A_180 : i1 to i32
      %sign3A_182 = arith.constant 0 : i32
      %sign3A_183 = arith.cmpi slt, %jit3A_170, %sign3A_182 : i32
      %sign3A_184 = arith.extui %sign3A_183 : i1 to i32
      %sign3A_185 = arith.subi %sign3A_181, %sign3A_184 : i32
      %ne3A_186 = arith.cmpi ne, %sign3A_178, %sign3A_185 : i32
      %rem3A_187 = arith.remsi %select_n3A, %jit3A_170 : i32
      %ne3A_188 = arith.constant 0 : i32
      %ne3A_189 = arith.cmpi ne, %rem3A_187, %ne3A_188 : i32
      %and3A_190 = arith.andi %ne3A_186, %ne3A_189 : i1
      %sub3A_191 = arith.constant 1 : i32
      %sub3A_192 = arith.subi %div3A_171, %sub3A_191 : i32
      %select_n3A_193 = arith.select %and3A_190, %sub3A_192, %div3A_171 : i32
      %sub3A_194 = arith.constant 1 : i32
      %sub3A_195 = arith.subi %select_n3A_193, %sub3A_194 : i32
      %lt3A_196 = arith.cmpi slt, %while3A_59, %sub3A_195 : i32
      %convert_element_type3A_197 = arith.extui %lt3A_196 : i1 to i32
      %cond3A_198 = arith.constant 0 : i32
      %cond3A_199 = arith.cmpi ne, %convert_element_type3A_197, %cond3A_198 : i32
      scf.if %cond3A_199 {
        %add3A_280 = arith.constant 4 : i32
        %add3A_281 = arith.addi %add3A_163, %add3A_280 : i32
        %dma_start3A_282 = arith.constant 0 : i32
        %dma_start3A_283 = tpu.memref_slice %arg6[%add3A_281, %dma_start3A_282] : memref<40x128xi32, #tpu.memory_space<vmem>> -> memref<1x128xi32, #tpu.memory_space<vmem>>
        %dma_start3A_284 = tpu.memref_squeeze %dma_start3A_283 : memref<1x128xi32, #tpu.memory_space<vmem>> -> memref<128xi32, #tpu.memory_space<vmem>>
        %dma_start3A_285 = arith.constant 0 : i32
        %dma_start3A_286 = arith.constant 0 : i32
        %dma_start3A_287 = tpu.memref_slice %arg2[%dma_start3A_285, %dma_start3A_286] : memref<10240x128xf32, #tpu.memory_space<hbm>> -> memref<10240x128xf32, #tpu.memory_space<hbm>>
        tpu.enqueue_indirect_dma source(%dma_start3A_287 : memref<10240x128xf32, #tpu.memory_space<hbm>>) target(%arg9 : memref<128x128xf32, #tpu.memory_space<vmem>>) offsets(%dma_start3A_284 : memref<128xi32, #tpu.memory_space<vmem>>) semaphore(%arg13 : memref<!tpu.dma_semaphore, #tpu.memory_space<semaphore_mem>>)
      } else {
      }
      %mul3A_200 = arith.constant 4 : i32
      %mul3A_201 = arith.muli %mul3A_200, %while3A_59 : i32
      %add3A_202 = arith.constant 2 : i32
      %add3A_203 = arith.addi %mul3A_201, %add3A_202 : i32
      %dma_wait3A_204 = arith.constant 0 : i32
      %dma_wait3A_205 = tpu.memref_slice %arg7[%add3A_203, %dma_wait3A_204] : memref<40x128xi32, #tpu.memory_space<vmem>> -> memref<1x128xi32, #tpu.memory_space<vmem>>
      %dma_wait3A_206 = tpu.memref_squeeze %dma_wait3A_205 : memref<1x128xi32, #tpu.memory_space<vmem>> -> memref<128xi32, #tpu.memory_space<vmem>>
      %dma_wait3A_207 = arith.constant 0 : i32
      %dma_wait3A_208 = arith.constant 0 : i32
      %dma_wait3A_209 = tpu.memref_slice %arg5[%dma_wait3A_207, %dma_wait3A_208] : memref<163840x128xf32, #tpu.memory_space<hbm>> -> memref<163840x128xf32, #tpu.memory_space<hbm>>
      tpu.wait_indirect_dma semaphore(%arg18 : memref<!tpu.dma_semaphore, #tpu.memory_space<semaphore_mem>>) src(%arg10 : memref<128x128xf32, #tpu.memory_space<vmem>>) dst(%dma_wait3A_209 : memref<163840x128xf32, #tpu.memory_space<hbm>>)
      %jit3A_210 = arith.constant 4 : i32
      %div3A_211 = arith.divsi %select_n3A, %jit3A_210 : i32
      %sign3A_212 = arith.constant 0 : i32
      %sign3A_213 = arith.cmpi sgt, %select_n3A, %sign3A_212 : i32
      %sign3A_214 = arith.extui %sign3A_213 : i1 to i32
      %sign3A_215 = arith.constant 0 : i32
      %sign3A_216 = arith.cmpi slt, %select_n3A, %sign3A_215 : i32
      %sign3A_217 = arith.extui %sign3A_216 : i1 to i32
      %sign3A_218 = arith.subi %sign3A_214, %sign3A_217 : i32
      %sign3A_219 = arith.constant 0 : i32
      %sign3A_220 = arith.cmpi sgt, %jit3A_210, %sign3A_219 : i32
      %sign3A_221 = arith.extui %sign3A_220 : i1 to i32
      %sign3A_222 = arith.constant 0 : i32
      %sign3A_223 = arith.cmpi slt, %jit3A_210, %sign3A_222 : i32
      %sign3A_224 = arith.extui %sign3A_223 : i1 to i32
      %sign3A_225 = arith.subi %sign3A_221, %sign3A_224 : i32
      %ne3A_226 = arith.cmpi ne, %sign3A_218, %sign3A_225 : i32
      %rem3A_227 = arith.remsi %select_n3A, %jit3A_210 : i32
      %ne3A_228 = arith.constant 0 : i32
      %ne3A_229 = arith.cmpi ne, %rem3A_227, %ne3A_228 : i32
      %and3A_230 = arith.andi %ne3A_226, %ne3A_229 : i1
      %sub3A_231 = arith.constant 1 : i32
      %sub3A_232 = arith.subi %div3A_211, %sub3A_231 : i32
      %select_n3A_233 = arith.select %and3A_230, %sub3A_232, %div3A_211 : i32
      %sub3A_234 = arith.constant 1 : i32
      %sub3A_235 = arith.subi %select_n3A_233, %sub3A_234 : i32
      %lt3A_236 = arith.cmpi slt, %while3A_59, %sub3A_235 : i32
      %convert_element_type3A_237 = arith.extui %lt3A_236 : i1 to i32
      %cond3A_238 = arith.constant 0 : i32
      %cond3A_239 = arith.cmpi ne, %convert_element_type3A_237, %cond3A_238 : i32
      scf.if %cond3A_239 {
        %add3A_280 = arith.constant 4 : i32
        %add3A_281 = arith.addi %add3A_203, %add3A_280 : i32
        %dma_start3A_282 = arith.constant 0 : i32
        %dma_start3A_283 = tpu.memref_slice %arg6[%add3A_281, %dma_start3A_282] : memref<40x128xi32, #tpu.memory_space<vmem>> -> memref<1x128xi32, #tpu.memory_space<vmem>>
        %dma_start3A_284 = tpu.memref_squeeze %dma_start3A_283 : memref<1x128xi32, #tpu.memory_space<vmem>> -> memref<128xi32, #tpu.memory_space<vmem>>
        %dma_start3A_285 = arith.constant 0 : i32
        %dma_start3A_286 = arith.constant 0 : i32
        %dma_start3A_287 = tpu.memref_slice %arg2[%dma_start3A_285, %dma_start3A_286] : memref<10240x128xf32, #tpu.memory_space<hbm>> -> memref<10240x128xf32, #tpu.memory_space<hbm>>
        tpu.enqueue_indirect_dma source(%dma_start3A_287 : memref<10240x128xf32, #tpu.memory_space<hbm>>) target(%arg10 : memref<128x128xf32, #tpu.memory_space<vmem>>) offsets(%dma_start3A_284 : memref<128xi32, #tpu.memory_space<vmem>>) semaphore(%arg14 : memref<!tpu.dma_semaphore, #tpu.memory_space<semaphore_mem>>)
      } else {
      }
      %mul3A_240 = arith.constant 4 : i32
      %mul3A_241 = arith.muli %mul3A_240, %while3A_59 : i32
      %add3A_242 = arith.constant 3 : i32
      %add3A_243 = arith.addi %mul3A_241, %add3A_242 : i32
      %dma_wait3A_244 = arith.constant 0 : i32
      %dma_wait3A_245 = tpu.memref_slice %arg7[%add3A_243, %dma_wait3A_244] : memref<40x128xi32, #tpu.memory_space<vmem>> -> memref<1x128xi32, #tpu.memory_space<vmem>>
      %dma_wait3A_246 = tpu.memref_squeeze %dma_wait3A_245 : memref<1x128xi32, #tpu.memory_space<vmem>> -> memref<128xi32, #tpu.memory_space<vmem>>
      %dma_wait3A_247 = arith.constant 0 : i32
      %dma_wait3A_248 = arith.constant 0 : i32
      %dma_wait3A_249 = tpu.memref_slice %arg5[%dma_wait3A_247, %dma_wait3A_248] : memref<163840x128xf32, #tpu.memory_space<hbm>> -> memref<163840x128xf32, #tpu.memory_space<hbm>>
      tpu.wait_indirect_dma semaphore(%arg19 : memref<!tpu.dma_semaphore, #tpu.memory_space<semaphore_mem>>) src(%arg11 : memref<128x128xf32, #tpu.memory_space<vmem>>) dst(%dma_wait3A_249 : memref<163840x128xf32, #tpu.memory_space<hbm>>)
      %jit3A_250 = arith.constant 4 : i32
      %div3A_251 = arith.divsi %select_n3A, %jit3A_250 : i32
      %sign3A_252 = arith.constant 0 : i32
      %sign3A_253 = arith.cmpi sgt, %select_n3A, %sign3A_252 : i32
      %sign3A_254 = arith.extui %sign3A_253 : i1 to i32
      %sign3A_255 = arith.constant 0 : i32
      %sign3A_256 = arith.cmpi slt, %select_n3A, %sign3A_255 : i32
      %sign3A_257 = arith.extui %sign3A_256 : i1 to i32
      %sign3A_258 = arith.subi %sign3A_254, %sign3A_257 : i32
      %sign3A_259 = arith.constant 0 : i32
      %sign3A_260 = arith.cmpi sgt, %jit3A_250, %sign3A_259 : i32
      %sign3A_261 = arith.extui %sign3A_260 : i1 to i32
      %sign3A_262 = arith.constant 0 : i32
      %sign3A_263 = arith.cmpi slt, %jit3A_250, %sign3A_262 : i32
      %sign3A_264 = arith.extui %sign3A_263 : i1 to i32
      %sign3A_265 = arith.subi %sign3A_261, %sign3A_264 : i32
      %ne3A_266 = arith.cmpi ne, %sign3A_258, %sign3A_265 : i32
      %rem3A_267 = arith.remsi %select_n3A, %jit3A_250 : i32
      %ne3A_268 = arith.constant 0 : i32
      %ne3A_269 = arith.cmpi ne, %rem3A_267, %ne3A_268 : i32
      %and3A_270 = arith.andi %ne3A_266, %ne3A_269 : i1
      %sub3A_271 = arith.constant 1 : i32
      %sub3A_272 = arith.subi %div3A_251, %sub3A_271 : i32
      %select_n3A_273 = arith.select %and3A_270, %sub3A_272, %div3A_251 : i32
      %sub3A_274 = arith.constant 1 : i32
      %sub3A_275 = arith.subi %select_n3A_273, %sub3A_274 : i32
      %lt3A_276 = arith.cmpi slt, %while3A_59, %sub3A_275 : i32
      %convert_element_type3A_277 = arith.extui %lt3A_276 : i1 to i32
      %cond3A_278 = arith.constant 0 : i32
      %cond3A_279 = arith.cmpi ne, %convert_element_type3A_277, %cond3A_278 : i32
      scf.if %cond3A_279 {
        %add3A_280 = arith.constant 4 : i32
        %add3A_281 = arith.addi %add3A_243, %add3A_280 : i32
        %dma_start3A_282 = arith.constant 0 : i32
        %dma_start3A_283 = tpu.memref_slice %arg6[%add3A_281, %dma_start3A_282] : memref<40x128xi32, #tpu.memory_space<vmem>> -> memref<1x128xi32, #tpu.memory_space<vmem>>
        %dma_start3A_284 = tpu.memref_squeeze %dma_start3A_283 : memref<1x128xi32, #tpu.memory_space<vmem>> -> memref<128xi32, #tpu.memory_space<vmem>>
        %dma_start3A_285 = arith.constant 0 : i32
        %dma_start3A_286 = arith.constant 0 : i32
        %dma_start3A_287 = tpu.memref_slice %arg2[%dma_start3A_285, %dma_start3A_286] : memref<10240x128xf32, #tpu.memory_space<hbm>> -> memref<10240x128xf32, #tpu.memory_space<hbm>>
        tpu.enqueue_indirect_dma source(%dma_start3A_287 : memref<10240x128xf32, #tpu.memory_space<hbm>>) target(%arg11 : memref<128x128xf32, #tpu.memory_space<vmem>>) offsets(%dma_start3A_284 : memref<128xi32, #tpu.memory_space<vmem>>) semaphore(%arg15 : memref<!tpu.dma_semaphore, #tpu.memory_space<semaphore_mem>>)
      } else {
      }
    }
    %while3A_58 = arith.constant 1 : i32
    scf.for %while3A_59 = %while3A_56 to %while3A_52 step %while3A_58  : i32 {
      %mul3A_60 = arith.constant 4 : i32
      %mul3A_61 = arith.muli %mul3A_60, %while3A_59 : i32
      %add3A_62 = arith.constant 0 : i32
      %add3A_63 = arith.addi %mul3A_61, %add3A_62 : i32
      %dma_wait3A = arith.constant 0 : i32
      %dma_wait3A_64 = tpu.memref_slice %arg6[%add3A_63, %dma_wait3A] : memref<40x128xi32, #tpu.memory_space<vmem>> -> memref<1x128xi32, #tpu.memory_space<vmem>>
      %dma_wait3A_65 = tpu.memref_squeeze %dma_wait3A_64 : memref<1x128xi32, #tpu.memory_space<vmem>> -> memref<128xi32, #tpu.memory_space<vmem>>
      %dma_wait3A_66 = arith.constant 0 : i32
      %dma_wait3A_67 = arith.constant 0 : i32
      %dma_wait3A_68 = tpu.memref_slice %arg2[%dma_wait3A_66, %dma_wait3A_67] : memref<10240x128xf32, #tpu.memory_space<hbm>> -> memref<10240x128xf32, #tpu.memory_space<hbm>>
      tpu.wait_indirect_dma semaphore(%arg12 : memref<!tpu.dma_semaphore, #tpu.memory_space<semaphore_mem>>) src(%dma_wait3A_68 : memref<10240x128xf32, #tpu.memory_space<hbm>>) dst(%arg8 : memref<128x128xf32, #tpu.memory_space<vmem>>)
      %dma_start3A_69 = arith.constant 0 : i32
      %dma_start3A_70 = tpu.memref_slice %arg7[%add3A_63, %dma_start3A_69] : memref<40x128xi32, #tpu.memory_space<vmem>> -> memref<1x128xi32, #tpu.memory_space<vmem>>
      %dma_start3A_71 = tpu.memref_squeeze %dma_start3A_70 : memref<1x128xi32, #tpu.memory_space<vmem>> -> memref<128xi32, #tpu.memory_space<vmem>>
      %dma_start3A_72 = arith.constant 0 : i32
      %dma_start3A_73 = arith.constant 0 : i32
      %dma_start3A_74 = tpu.memref_slice %arg5[%dma_start3A_72, %dma_start3A_73] : memref<163840x128xf32, #tpu.memory_space<hbm>> -> memref<163840x128xf32, #tpu.memory_space<hbm>>
      tpu.enqueue_indirect_dma source(%arg8 : memref<128x128xf32, #tpu.memory_space<vmem>>) target(%dma_start3A_74 : memref<163840x128xf32, #tpu.memory_space<hbm>>) offsets(%dma_start3A_71 : memref<128xi32, #tpu.memory_space<vmem>>) semaphore(%arg16 : memref<!tpu.dma_semaphore, #tpu.memory_space<semaphore_mem>>)
      %mul3A_75 = arith.constant 4 : i32
      %mul3A_76 = arith.muli %mul3A_75, %while3A_59 : i32
      %add3A_77 = arith.constant 1 : i32
      %add3A_78 = arith.addi %mul3A_76, %add3A_77 : i32
      %dma_wait3A_79 = arith.constant 0 : i32
      %dma_wait3A_80 = tpu.memref_slice %arg6[%add3A_78, %dma_wait3A_79] : memref<40x128xi32, #tpu.memory_space<vmem>> -> memref<1x128xi32, #tpu.memory_space<vmem>>
      %dma_wait3A_81 = tpu.memref_squeeze %dma_wait3A_80 : memref<1x128xi32, #tpu.memory_space<vmem>> -> memref<128xi32, #tpu.memory_space<vmem>>
      %dma_wait3A_82 = arith.constant 0 : i32
      %dma_wait3A_83 = arith.constant 0 : i32
      %dma_wait3A_84 = tpu.memref_slice %arg2[%dma_wait3A_82, %dma_wait3A_83] : memref<10240x128xf32, #tpu.memory_space<hbm>> -> memref<10240x128xf32, #tpu.memory_space<hbm>>
      tpu.wait_indirect_dma semaphore(%arg13 : memref<!tpu.dma_semaphore, #tpu.memory_space<semaphore_mem>>) src(%dma_wait3A_84 : memref<10240x128xf32, #tpu.memory_space<hbm>>) dst(%arg9 : memref<128x128xf32, #tpu.memory_space<vmem>>)
      %dma_start3A_85 = arith.constant 0 : i32
      %dma_start3A_86 = tpu.memref_slice %arg7[%add3A_78, %dma_start3A_85] : memref<40x128xi32, #tpu.memory_space<vmem>> -> memref<1x128xi32, #tpu.memory_space<vmem>>
      %dma_start3A_87 = tpu.memref_squeeze %dma_start3A_86 : memref<1x128xi32, #tpu.memory_space<vmem>> -> memref<128xi32, #tpu.memory_space<vmem>>
      %dma_start3A_88 = arith.constant 0 : i32
      %dma_start3A_89 = arith.constant 0 : i32
      %dma_start3A_90 = tpu.memref_slice %arg5[%dma_start3A_88, %dma_start3A_89] : memref<163840x128xf32, #tpu.memory_space<hbm>> -> memref<163840x128xf32, #tpu.memory_space<hbm>>
      tpu.enqueue_indirect_dma source(%arg9 : memref<128x128xf32, #tpu.memory_space<vmem>>) target(%dma_start3A_90 : memref<163840x128xf32, #tpu.memory_space<hbm>>) offsets(%dma_start3A_87 : memref<128xi32, #tpu.memory_space<vmem>>) semaphore(%arg17 : memref<!tpu.dma_semaphore, #tpu.memory_space<semaphore_mem>>)
      %mul3A_91 = arith.constant 4 : i32
      %mul3A_92 = arith.muli %mul3A_91, %while3A_59 : i32
      %add3A_93 = arith.constant 2 : i32
      %add3A_94 = arith.addi %mul3A_92, %add3A_93 : i32
      %dma_wait3A_95 = arith.constant 0 : i32
      %dma_wait3A_96 = tpu.memref_slice %arg6[%add3A_94, %dma_wait3A_95] : memref<40x128xi32, #tpu.memory_space<vmem>> -> memref<1x128xi32, #tpu.memory_space<vmem>>
      %dma_wait3A_97 = tpu.memref_squeeze %dma_wait3A_96 : memref<1x128xi32, #tpu.memory_space<vmem>> -> memref<128xi32, #tpu.memory_space<vmem>>
      %dma_wait3A_98 = arith.constant 0 : i32
      %dma_wait3A_99 = arith.constant 0 : i32
      %dma_wait3A_100 = tpu.memref_slice %arg2[%dma_wait3A_98, %dma_wait3A_99] : memref<10240x128xf32, #tpu.memory_space<hbm>> -> memref<10240x128xf32, #tpu.memory_space<hbm>>
      tpu.wait_indirect_dma semaphore(%arg14 : memref<!tpu.dma_semaphore, #tpu.memory_space<semaphore_mem>>) src(%dma_wait3A_100 : memref<10240x128xf32, #tpu.memory_space<hbm>>) dst(%arg10 : memref<128x128xf32, #tpu.memory_space<vmem>>)
      %dma_start3A_101 = arith.constant 0 : i32
      %dma_start3A_102 = tpu.memref_slice %arg7[%add3A_94, %dma_start3A_101] : memref<40x128xi32, #tpu.memory_space<vmem>> -> memref<1x128xi32, #tpu.memory_space<vmem>>
      %dma_start3A_103 = tpu.memref_squeeze %dma_start3A_102 : memref<1x128xi32, #tpu.memory_space<vmem>> -> memref<128xi32, #tpu.memory_space<vmem>>
      %dma_start3A_104 = arith.constant 0 : i32
      %dma_start3A_105 = arith.constant 0 : i32
      %dma_start3A_106 = tpu.memref_slice %arg5[%dma_start3A_104, %dma_start3A_105] : memref<163840x128xf32, #tpu.memory_space<hbm>> -> memref<163840x128xf32, #tpu.memory_space<hbm>>
      tpu.enqueue_indirect_dma source(%arg10 : memref<128x128xf32, #tpu.memory_space<vmem>>) target(%dma_start3A_106 : memref<163840x128xf32, #tpu.memory_space<hbm>>) offsets(%dma_start3A_103 : memref<128xi32, #tpu.memory_space<vmem>>) semaphore(%arg18 : memref<!tpu.dma_semaphore, #tpu.memory_space<semaphore_mem>>)
      %mul3A_107 = arith.constant 4 : i32
      %mul3A_108 = arith.muli %mul3A_107, %while3A_59 : i32
      %add3A_109 = arith.constant 3 : i32
      %add3A_110 = arith.addi %mul3A_108, %add3A_109 : i32
      %dma_wait3A_111 = arith.constant 0 : i32
      %dma_wait3A_112 = tpu.memref_slice %arg6[%add3A_110, %dma_wait3A_111] : memref<40x128xi32, #tpu.memory_space<vmem>> -> memref<1x128xi32, #tpu.memory_space<vmem>>
      %dma_wait3A_113 = tpu.memref_squeeze %dma_wait3A_112 : memref<1x128xi32, #tpu.memory_space<vmem>> -> memref<128xi32, #tpu.memory_space<vmem>>
      %dma_wait3A_114 = arith.constant 0 : i32
      %dma_wait3A_115 = arith.constant 0 : i32
      %dma_wait3A_116 = tpu.memref_slice %arg2[%dma_wait3A_114, %dma_wait3A_115] : memref<10240x128xf32, #tpu.memory_space<hbm>> -> memref<10240x128xf32, #tpu.memory_space<hbm>>
      tpu.wait_indirect_dma semaphore(%arg15 : memref<!tpu.dma_semaphore, #tpu.memory_space<semaphore_mem>>) src(%dma_wait3A_116 : memref<10240x128xf32, #tpu.memory_space<hbm>>) dst(%arg11 : memref<128x128xf32, #tpu.memory_space<vmem>>)
      %dma_start3A_117 = arith.constant 0 : i32
      %dma_start3A_118 = tpu.memref_slice %arg7[%add3A_110, %dma_start3A_117] : memref<40x128xi32, #tpu.memory_space<vmem>> -> memref<1x128xi32, #tpu.memory_space<vmem>>
      %dma_start3A_119 = tpu.memref_squeeze %dma_start3A_118 : memref<1x128xi32, #tpu.memory_space<vmem>> -> memref<128xi32, #tpu.memory_space<vmem>>
      %dma_start3A_120 = arith.constant 0 : i32
      %dma_start3A_121 = arith.constant 0 : i32
      %dma_start3A_122 = tpu.memref_slice %arg5[%dma_start3A_120, %dma_start3A_121] : memref<163840x128xf32, #tpu.memory_space<hbm>> -> memref<163840x128xf32, #tpu.memory_space<hbm>>
      tpu.enqueue_indirect_dma source(%arg11 : memref<128x128xf32, #tpu.memory_space<vmem>>) target(%dma_start3A_122 : memref<163840x128xf32, #tpu.memory_space<hbm>>) offsets(%dma_start3A_119 : memref<128xi32, #tpu.memory_space<vmem>>) semaphore(%arg19 : memref<!tpu.dma_semaphore, #tpu.memory_space<semaphore_mem>>)
      %mul3A_123 = arith.constant 4 : i32
      %mul3A_124 = arith.muli %mul3A_123, %while3A_59 : i32
      %add3A_125 = arith.constant 0 : i32
      %add3A_126 = arith.addi %mul3A_124, %add3A_125 : i32
      %dma_wait3A_127 = arith.constant 0 : i32
      %dma_wait3A_128 = tpu.memref_slice %arg7[%add3A_126, %dma_wait3A_127] : memref<40x128xi32, #tpu.memory_space<vmem>> -> memref<1x128xi32, #tpu.memory_space<vmem>>
      %dma_wait3A_129 = tpu.memref_squeeze %dma_wait3A_128 : memref<1x128xi32, #tpu.memory_space<vmem>> -> memref<128xi32, #tpu.memory_space<vmem>>
      %dma_wait3A_130 = arith.constant 0 : i32
      %dma_wait3A_131 = arith.constant 0 : i32
      %dma_wait3A_132 = tpu.memref_slice %arg5[%dma_wait3A_130, %dma_wait3A_131] : memref<163840x128xf32, #tpu.memory_space<hbm>> -> memref<163840x128xf32, #tpu.memory_space<hbm>>
      tpu.wait_indirect_dma semaphore(%arg16 : memref<!tpu.dma_semaphore, #tpu.memory_space<semaphore_mem>>) src(%arg8 : memref<128x128xf32, #tpu.memory_space<vmem>>) dst(%dma_wait3A_132 : memref<163840x128xf32, #tpu.memory_space<hbm>>)
      %jit3A_133 = arith.constant 4 : i32
      %div3A_134 = arith.divsi %select_n3A, %jit3A_133 : i32
      %sign3A_135 = arith.constant 0 : i32
      %sign3A_136 = arith.cmpi sgt, %select_n3A, %sign3A_135 : i32
      %sign3A_137 = arith.extui %sign3A_136 : i1 to i32
      %sign3A_138 = arith.constant 0 : i32
      %sign3A_139 = arith.cmpi slt, %select_n3A, %sign3A_138 : i32
      %sign3A_140 = arith.extui %sign3A_139 : i1 to i32
      %sign3A_141 = arith.subi %sign3A_137, %sign3A_140 : i32
      %sign3A_142 = arith.constant 0 : i32
      %sign3A_143 = arith.cmpi sgt, %jit3A_133, %sign3A_142 : i32
      %sign3A_144 = arith.extui %sign3A_143 : i1 to i32
      %sign3A_145 = arith.constant 0 : i32
      %sign3A_146 = arith.cmpi slt, %jit3A_133, %sign3A_145 : i32
      %sign3A_147 = arith.extui %sign3A_146 : i1 to i32
      %sign3A_148 = arith.subi %sign3A_144, %sign3A_147 : i32
      %ne3A_149 = arith.cmpi ne, %sign3A_141, %sign3A_148 : i32
      %rem3A_150 = arith.remsi %select_n3A, %jit3A_133 : i32
      %ne3A_151 = arith.constant 0 : i32
      %ne3A_152 = arith.cmpi ne, %rem3A_150, %ne3A_151 : i32
      %and3A_153 = arith.andi %ne3A_149, %ne3A_152 : i1
      %sub3A_154 = arith.constant 1 : i32
      %sub3A_155 = arith.subi %div3A_134, %sub3A_154 : i32
      %select_n3A_156 = arith.select %and3A_153, %sub3A_155, %div3A_134 : i32
      %sub3A_157 = arith.constant 1 : i32
      %sub3A_158 = arith.subi %select_n3A_156, %sub3A_157 : i32
      %lt3A = arith.cmpi slt, %while3A_59, %sub3A_158 : i32
      %convert_element_type3A = arith.extui %lt3A : i1 to i32
      %cond3A = arith.constant 0 : i32
      %cond3A_159 = arith.cmpi ne, %convert_element_type3A, %cond3A : i32
      scf.if %cond3A_159 {
        %add3A_280 = arith.constant 4 : i32
        %add3A_281 = arith.addi %add3A_126, %add3A_280 : i32
        %dma_start3A_282 = arith.constant 0 : i32
        %dma_start3A_283 = tpu.memref_slice %arg6[%add3A_281, %dma_start3A_282] : memref<40x128xi32, #tpu.memory_space<vmem>> -> memref<1x128xi32, #tpu.memory_space<vmem>>
        %dma_start3A_284 = tpu.memref_squeeze %dma_start3A_283 : memref<1x128xi32, #tpu.memory_space<vmem>> -> memref<128xi32, #tpu.memory_space<vmem>>
        %dma_start3A_285 = arith.constant 0 : i32
        %dma_start3A_286 = arith.constant 0 : i32
        %dma_start3A_287 = tpu.memref_slice %arg2[%dma_start3A_285, %dma_start3A_286] : memref<10240x128xf32, #tpu.memory_space<hbm>> -> memref<10240x128xf32, #tpu.memory_space<hbm>>
        tpu.enqueue_indirect_dma source(%dma_start3A_287 : memref<10240x128xf32, #tpu.memory_space<hbm>>) target(%arg8 : memref<128x128xf32, #tpu.memory_space<vmem>>) offsets(%dma_start3A_284 : memref<128xi32, #tpu.memory_space<vmem>>) semaphore(%arg12 : memref<!tpu.dma_semaphore, #tpu.memory_space<semaphore_mem>>)
      } else {
      }
      %mul3A_160 = arith.constant 4 : i32
      %mul3A_161 = arith.muli %mul3A_160, %while3A_59 : i32
      %add3A_162 = arith.constant 1 : i32
      %add3A_163 = arith.addi %mul3A_161, %add3A_162 : i32
      %dma_wait3A_164 = arith.constant 0 : i32
      %dma_wait3A_165 = tpu.memref_slice %arg7[%add3A_163, %dma_wait3A_164] : memref<40x128xi32, #tpu.memory_space<vmem>> -> memref<1x128xi32, #tpu.memory_space<vmem>>
      %dma_wait3A_166 = tpu.memref_squeeze %dma_wait3A_165 : memref<1x128xi32, #tpu.memory_space<vmem>> -> memref<128xi32, #tpu.memory_space<vmem>>
      %dma_wait3A_167 = arith.constant 0 : i32
      %dma_wait3A_168 = arith.constant 0 : i32
      %dma_wait3A_169 = tpu.memref_slice %arg5[%dma_wait3A_167, %dma_wait3A_168] : memref<163840x128xf32, #tpu.memory_space<hbm>> -> memref<163840x128xf32, #tpu.memory_space<hbm>>
      tpu.wait_indirect_dma semaphore(%arg17 : memref<!tpu.dma_semaphore, #tpu.memory_space<semaphore_mem>>) src(%arg9 : memref<128x128xf32, #tpu.memory_space<vmem>>) dst(%dma_wait3A_169 : memref<163840x128xf32, #tpu.memory_space<hbm>>)
      %jit3A_170 = arith.constant 4 : i32
      %div3A_171 = arith.divsi %select_n3A, %jit3A_170 : i32
      %sign3A_172 = arith.constant 0 : i32
      %sign3A_173 = arith.cmpi sgt, %select_n3A, %sign3A_172 : i32
      %sign3A_174 = arith.extui %sign3A_173 : i1 to i32
      %sign3A_175 = arith.constant 0 : i32
      %sign3A_176 = arith.cmpi slt, %select_n3A, %sign3A_175 : i32
      %sign3A_177 = arith.extui %sign3A_176 : i1 to i32
      %sign3A_178 = arith.subi %sign3A_174, %sign3A_177 : i32
      %sign3A_179 = arith.constant 0 : i32
      %sign3A_180 = arith.cmpi sgt, %jit3A_170, %sign3A_179 : i32
      %sign3A_181 = arith.extui %sign3A_180 : i1 to i32
      %sign3A_182 = arith.constant 0 : i32
      %sign3A_183 = arith.cmpi slt, %jit3A_170, %sign3A_182 : i32
      %sign3A_184 = arith.extui %sign3A_183 : i1 to i32
      %sign3A_185 = arith.subi %sign3A_181, %sign3A_184 : i32
      %ne3A_186 = arith.cmpi ne, %sign3A_178, %sign3A_185 : i32
      %rem3A_187 = arith.remsi %select_n3A, %jit3A_170 : i32
      %ne3A_188 = arith.constant 0 : i32
      %ne3A_189 = arith.cmpi ne, %rem3A_187, %ne3A_188 : i32
      %and3A_190 = arith.andi %ne3A_186, %ne3A_189 : i1
      %sub3A_191 = arith.constant 1 : i32
      %sub3A_192 = arith.subi %div3A_171, %sub3A_191 : i32
      %select_n3A_193 = arith.select %and3A_190, %sub3A_192, %div3A_171 : i32
      %sub3A_194 = arith.constant 1 : i32
      %sub3A_195 = arith.subi %select_n3A_193, %sub3A_194 : i32
      %lt3A_196 = arith.cmpi slt, %while3A_59, %sub3A_195 : i32
      %convert_element_type3A_197 = arith.extui %lt3A_196 : i1 to i32
      %cond3A_198 = arith.constant 0 : i32
      %cond3A_199 = arith.cmpi ne, %convert_element_type3A_197, %cond3A_198 : i32
      scf.if %cond3A_199 {
        %add3A_280 = arith.constant 4 : i32
        %add3A_281 = arith.addi %add3A_163, %add3A_280 : i32
        %dma_start3A_282 = arith.constant 0 : i32
        %dma_start3A_283 = tpu.memref_slice %arg6[%add3A_281, %dma_start3A_282] : memref<40x128xi32, #tpu.memory_space<vmem>> -> memref<1x128xi32, #tpu.memory_space<vmem>>
        %dma_start3A_284 = tpu.memref_squeeze %dma_start3A_283 : memref<1x128xi32, #tpu.memory_space<vmem>> -> memref<128xi32, #tpu.memory_space<vmem>>
        %dma_start3A_285 = arith.constant 0 : i32
        %dma_start3A_286 = arith.constant 0 : i32
        %dma_start3A_287 = tpu.memref_slice %arg2[%dma_start3A_285, %dma_start3A_286] : memref<10240x128xf32, #tpu.memory_space<hbm>> -> memref<10240x128xf32, #tpu.memory_space<hbm>>
        tpu.enqueue_indirect_dma source(%dma_start3A_287 : memref<10240x128xf32, #tpu.memory_space<hbm>>) target(%arg9 : memref<128x128xf32, #tpu.memory_space<vmem>>) offsets(%dma_start3A_284 : memref<128xi32, #tpu.memory_space<vmem>>) semaphore(%arg13 : memref<!tpu.dma_semaphore, #tpu.memory_space<semaphore_mem>>)
      } else {
      }
      %mul3A_200 = arith.constant 4 : i32
      %mul3A_201 = arith.muli %mul3A_200, %while3A_59 : i32
      %add3A_202 = arith.constant 2 : i32
      %add3A_203 = arith.addi %mul3A_201, %add3A_202 : i32
      %dma_wait3A_204 = arith.constant 0 : i32
      %dma_wait3A_205 = tpu.memref_slice %arg7[%add3A_203, %dma_wait3A_204] : memref<40x128xi32, #tpu.memory_space<vmem>> -> memref<1x128xi32, #tpu.memory_space<vmem>>
      %dma_wait3A_206 = tpu.memref_squeeze %dma_wait3A_205 : memref<1x128xi32, #tpu.memory_space<vmem>> -> memref<128xi32, #tpu.memory_space<vmem>>
      %dma_wait3A_207 = arith.constant 0 : i32
      %dma_wait3A_208 = arith.constant 0 : i32
      %dma_wait3A_209 = tpu.memref_slice %arg5[%dma_wait3A_207, %dma_wait3A_208] : memref<163840x128xf32, #tpu.memory_space<hbm>> -> memref<163840x128xf32, #tpu.memory_space<hbm>>
      tpu.wait_indirect_dma semaphore(%arg18 : memref<!tpu.dma_semaphore, #tpu.memory_space<semaphore_mem>>) src(%arg10 : memref<128x128xf32, #tpu.memory_space<vmem>>) dst(%dma_wait3A_209 : memref<163840x128xf32, #tpu.memory_space<hbm>>)
      %jit3A_210 = arith.constant 4 : i32
      %div3A_211 = arith.divsi %select_n3A, %jit3A_210 : i32
      %sign3A_212 = arith.constant 0 : i32
      %sign3A_213 = arith.cmpi sgt, %select_n3A, %sign3A_212 : i32
      %sign3A_214 = arith.extui %sign3A_213 : i1 to i32
      %sign3A_215 = arith.constant 0 : i32
      %sign3A_216 = arith.cmpi slt, %select_n3A, %sign3A_215 : i32
      %sign3A_217 = arith.extui %sign3A_216 : i1 to i32
      %sign3A_218 = arith.subi %sign3A_214, %sign3A_217 : i32
      %sign3A_219 = arith.constant 0 : i32
      %sign3A_220 = arith.cmpi sgt, %jit3A_210, %sign3A_219 : i32
      %sign3A_221 = arith.extui %sign3A_220 : i1 to i32
      %sign3A_222 = arith.constant 0 : i32
      %sign3A_223 = arith.cmpi slt, %jit3A_210, %sign3A_222 : i32
      %sign3A_224 = arith.extui %sign3A_223 : i1 to i32
      %sign3A_225 = arith.subi %sign3A_221, %sign3A_224 : i32
      %ne3A_226 = arith.cmpi ne, %sign3A_218, %sign3A_225 : i32
      %rem3A_227 = arith.remsi %select_n3A, %jit3A_210 : i32
      %ne3A_228 = arith.constant 0 : i32
      %ne3A_229 = arith.cmpi ne, %rem3A_227, %ne3A_228 : i32
      %and3A_230 = arith.andi %ne3A_226, %ne3A_229 : i1
      %sub3A_231 = arith.constant 1 : i32
      %sub3A_232 = arith.subi %div3A_211, %sub3A_231 : i32
      %select_n3A_233 = arith.select %and3A_230, %sub3A_232, %div3A_211 : i32
      %sub3A_234 = arith.constant 1 : i32
      %sub3A_235 = arith.subi %select_n3A_233, %sub3A_234 : i32
      %lt3A_236 = arith.cmpi slt, %while3A_59, %sub3A_235 : i32
      %convert_element_type3A_237 = arith.extui %lt3A_236 : i1 to i32
      %cond3A_238 = arith.constant 0 : i32
      %cond3A_239 = arith.cmpi ne, %convert_element_type3A_237, %cond3A_238 : i32
      scf.if %cond3A_239 {
        %add3A_280 = arith.constant 4 : i32
        %add3A_281 = arith.addi %add3A_203, %add3A_280 : i32
        %dma_start3A_282 = arith.constant 0 : i32
        %dma_start3A_283 = tpu.memref_slice %arg6[%add3A_281, %dma_start3A_282] : memref<40x128xi32, #tpu.memory_space<vmem>> -> memref<1x128xi32, #tpu.memory_space<vmem>>
        %dma_start3A_284 = tpu.memref_squeeze %dma_start3A_283 : memref<1x128xi32, #tpu.memory_space<vmem>> -> memref<128xi32, #tpu.memory_space<vmem>>
        %dma_start3A_285 = arith.constant 0 : i32
        %dma_start3A_286 = arith.constant 0 : i32
        %dma_start3A_287 = tpu.memref_slice %arg2[%dma_start3A_285, %dma_start3A_286] : memref<10240x128xf32, #tpu.memory_space<hbm>> -> memref<10240x128xf32, #tpu.memory_space<hbm>>
        tpu.enqueue_indirect_dma source(%dma_start3A_287 : memref<10240x128xf32, #tpu.memory_space<hbm>>) target(%arg10 : memref<128x128xf32, #tpu.memory_space<vmem>>) offsets(%dma_start3A_284 : memref<128xi32, #tpu.memory_space<vmem>>) semaphore(%arg14 : memref<!tpu.dma_semaphore, #tpu.memory_space<semaphore_mem>>)
      } else {
      }
      %mul3A_240 = arith.constant 4 : i32
      %mul3A_241 = arith.muli %mul3A_240, %while3A_59 : i32
      %add3A_242 = arith.constant 3 : i32
      %add3A_243 = arith.addi %mul3A_241, %add3A_242 : i32
      %dma_wait3A_244 = arith.constant 0 : i32
      %dma_wait3A_245 = tpu.memref_slice %arg7[%add3A_243, %dma_wait3A_244] : memref<40x128xi32, #tpu.memory_space<vmem>> -> memref<1x128xi32, #tpu.memory_space<vmem>>
      %dma_wait3A_246 = tpu.memref_squeeze %dma_wait3A_245 : memref<1x128xi32, #tpu.memory_space<vmem>> -> memref<128xi32, #tpu.memory_space<vmem>>
      %dma_wait3A_247 = arith.constant 0 : i32
      %dma_wait3A_248 = arith.constant 0 : i32
      %dma_wait3A_249 = tpu.memref_slice %arg5[%dma_wait3A_247, %dma_wait3A_248] : memref<163840x128xf32, #tpu.memory_space<hbm>> -> memref<163840x128xf32, #tpu.memory_space<hbm>>
      tpu.wait_indirect_dma semaphore(%arg19 : memref<!tpu.dma_semaphore, #tpu.memory_space<semaphore_mem>>) src(%arg11 : memref<128x128xf32, #tpu.memory_space<vmem>>) dst(%dma_wait3A_249 : memref<163840x128xf32, #tpu.memory_space<hbm>>)
      %jit3A_250 = arith.constant 4 : i32
      %div3A_251 = arith.divsi %select_n3A, %jit3A_250 : i32
      %sign3A_252 = arith.constant 0 : i32
      %sign3A_253 = arith.cmpi sgt, %select_n3A, %sign3A_252 : i32
      %sign3A_254 = arith.extui %sign3A_253 : i1 to i32
      %sign3A_255 = arith.constant 0 : i32
      %sign3A_256 = arith.cmpi slt, %select_n3A, %sign3A_255 : i32
      %sign3A_257 = arith.extui %sign3A_256 : i1 to i32
      %sign3A_258 = arith.subi %sign3A_254, %sign3A_257 : i32
      %sign3A_259 = arith.constant 0 : i32
      %sign3A_260 = arith.cmpi sgt, %jit3A_250, %sign3A_259 : i32
      %sign3A_261 = arith.extui %sign3A_260 : i1 to i32
      %sign3A_262 = arith.constant 0 : i32
      %sign3A_263 = arith.cmpi slt, %jit3A_250, %sign3A_262 : i32
      %sign3A_264 = arith.extui %sign3A_263 : i1 to i32
      %sign3A_265 = arith.subi %sign3A_261, %sign3A_264 : i32
      %ne3A_266 = arith.cmpi ne, %sign3A_258, %sign3A_265 : i32
      %rem3A_267 = arith.remsi %select_n3A, %jit3A_250 : i32
      %ne3A_268 = arith.constant 0 : i32
      %ne3A_269 = arith.cmpi ne, %rem3A_267, %ne3A_268 : i32
      %and3A_270 = arith.andi %ne3A_266, %ne3A_269 : i1
      %sub3A_271 = arith.constant 1 : i32
      %sub3A_272 = arith.subi %div3A_251, %sub3A_271 : i32
      %select_n3A_273 = arith.select %and3A_270, %sub3A_272, %div3A_251 : i32
      %sub3A_274 = arith.constant 1 : i32
      %sub3A_275 = arith.subi %select_n3A_273, %sub3A_274 : i32
      %lt3A_276 = arith.cmpi slt, %while3A_59, %sub3A_275 : i32
      %convert_element_type3A_277 = arith.extui %lt3A_276 : i1 to i32
      %cond3A_278 = arith.constant 0 : i32
      %cond3A_279 = arith.cmpi ne, %convert_element_type3A_277, %cond3A_278 : i32
      scf.if %cond3A_279 {
        %add3A_280 = arith.constant 4 : i32
        %add3A_281 = arith.addi %add3A_243, %add3A_280 : i32
        %dma_start3A_282 = arith.constant 0 : i32
        %dma_start3A_283 = tpu.memref_slice %arg6[%add3A_281, %dma_start3A_282] : memref<40x128xi32, #tpu.memory_space<vmem>> -> memref<1x128xi32, #tpu.memory_space<vmem>>
        %dma_start3A_284 = tpu.memref_squeeze %dma_start3A_283 : memref<1x128xi32, #tpu.memory_space<vmem>> -> memref<128xi32, #tpu.memory_space<vmem>>
        %dma_start3A_285 = arith.constant 0 : i32
        %dma_start3A_286 = arith.constant 0 : i32
        %dma_start3A_287 = tpu.memref_slice %arg2[%dma_start3A_285, %dma_start3A_286] : memref<10240x128xf32, #tpu.memory_space<hbm>> -> memref<10240x128xf32, #tpu.memory_space<hbm>>
        tpu.enqueue_indirect_dma source(%dma_start3A_287 : memref<10240x128xf32, #tpu.memory_space<hbm>>) target(%arg11 : memref<128x128xf32, #tpu.memory_space<vmem>>) offsets(%dma_start3A_284 : memref<128xi32, #tpu.memory_space<vmem>>) semaphore(%arg15 : memref<!tpu.dma_semaphore, #tpu.memory_space<semaphore_mem>>)
      } else {
      }
    }
    return
  }
}

module attributes {stable_mosaic.version = 14 : i64} {
  func.func @body(%arg0: i32, %arg1: memref<128x512xf32, #tpu.memory_space<vmem>>, %arg2: memref<512x128xf32, #tpu.memory_space<vmem>>) attributes {dimension_semantics = [#tpu.dimension_semantics<arbitrary>], iteration_bounds = array<i64: 20>, scalar_prefetch = 0 : i64, scratch_operands = 0 : i64, tpu.core_type = #tpu.core_type<tc>, window_params = [{transform_indices = @transform_0, window_bounds = array<i64: 128, 512>}, {transform_indices = @transform_1, window_bounds = array<i64: 512, 128>}]} {
    %get3A = arith.constant 0 : index
    %get3A_0 = arith.constant 0 : index
    %get3A_1 = vector.load %arg1[%get3A, %get3A_0] : memref<128x512xf32, #tpu.memory_space<vmem>>, vector<128x512xf32>
    %transpose3A = tpu.transpose %get3A_1, [1, 0] : vector<128x512xf32> -> vector<512x128xf32>
    %swap3A = arith.constant 0 : index
    %swap3A_2 = arith.constant 0 : index
    %swap3A_3 = vector.load %arg2[%swap3A, %swap3A_2] : memref<512x128xf32, #tpu.memory_space<vmem>>, vector<512x128xf32>
    tpu.vector_store %arg2[%swap3A, %swap3A_2], %transpose3A {strides = array<i32>} : memref<512x128xf32, #tpu.memory_space<vmem>>, vector<512x128xf32>,
    return
  }
  func.func @transform_0(%arg0: i32) -> (i32, i32) {
    %c0_i32 = arith.constant 0 : i32
    %c0_i32_0 = arith.constant 0 : i32
    return %c0_i32, %arg0 : i32, i32
  }
  func.func @transform_1(%arg0: i32) -> (i32, i32) {
    %c0_i32 = arith.constant 0 : i32
    %c0_i32_0 = arith.constant 0 : i32
    return %arg0, %c0_i32 : i32, i32
  }
}

module attributes {stable_mosaic.version = 14 : i64} {
  func.func @_dense_body(%arg0: i32, %arg1: memref<128x512xf32, #tpu.memory_space<vmem>>, %arg2: memref<16x512x128xf32, #tpu.memory_space<vmem>>, %arg3: memref<64x128xf32, #tpu.memory_space<vmem>>, %arg4: memref<64x1xf32, #tpu.memory_space<vmem>>, %arg5: memref<8x64xf32, #tpu.memory_space<vmem>>, %arg6: memref<8x1xf32, #tpu.memory_space<vmem>>, %arg7: memref<2x128x1024xf32, #tpu.memory_space<vmem>>, %arg8: memref<2x128x1xf32, #tpu.memory_space<vmem>>, %arg9: memref<2x256x128xf32, #tpu.memory_space<vmem>>, %arg10: memref<2x256x1xf32, #tpu.memory_space<vmem>>, %arg11: memref<2x256x512xf32, #tpu.memory_space<vmem>>) attributes {dimension_semantics = [#tpu.dimension_semantics<arbitrary>], iteration_bounds = array<i64: 20>, scalar_prefetch = 0 : i64, scratch_operands = 0 : i64, tpu.core_type = #tpu.core_type<tc>, window_params = [{transform_indices = @transform_0, window_bounds = array<i64: 128, 512>}, {transform_indices = @transform_1, window_bounds = array<i64: 16, 512, 128>}, {pipeline_mode = #tpu.pipeline_mode<synchronous>, transform_indices = @transform_2, window_bounds = array<i64: 64, 128>}, {pipeline_mode = #tpu.pipeline_mode<synchronous>, transform_indices = @transform_3, window_bounds = array<i64: 64, 1>}, {pipeline_mode = #tpu.pipeline_mode<synchronous>, transform_indices = @transform_4, window_bounds = array<i64: 8, 64>}, {pipeline_mode = #tpu.pipeline_mode<synchronous>, transform_indices = @transform_5, window_bounds = array<i64: 8, 1>}, {pipeline_mode = #tpu.pipeline_mode<synchronous>, transform_indices = @transform_6, window_bounds = array<i64: 2, 128, 1024>}, {pipeline_mode = #tpu.pipeline_mode<synchronous>, transform_indices = @transform_7, window_bounds = array<i64: 2, 128, 1>}, {pipeline_mode = #tpu.pipeline_mode<synchronous>, transform_indices = @transform_8, window_bounds = array<i64: 2, 256, 128>}, {pipeline_mode = #tpu.pipeline_mode<synchronous>, transform_indices = @transform_9, window_bounds = array<i64: 2, 256, 1>}, {transform_indices = @transform_10, window_bounds = array<i64: 2, 256, 512>}]} {
    %get3A = arith.constant 0 : index
    %get3A_0 = arith.constant 0 : index
    %get3A_1 = vector.load %arg1[%get3A, %get3A_0] : memref<128x512xf32, #tpu.memory_space<vmem>>, vector<128x512xf32>
    %get3A_2 = arith.constant 0 : index
    %get3A_3 = arith.constant 0 : index
    %get3A_4 = vector.load %arg3[%get3A_2, %get3A_3] : memref<64x128xf32, #tpu.memory_space<vmem>>, vector<64x128xf32>
    %get3A_5 = arith.constant 0 : index
    %get3A_6 = arith.constant 0 : index
    %get3A_7 = vector.load %arg4[%get3A_5, %get3A_6] : memref<64x1xf32, #tpu.memory_space<vmem>>, vector<64x1xf32>
    %get3A_8 = arith.constant 0 : index
    %get3A_9 = arith.constant 0 : index
    %get3A_10 = vector.load %arg5[%get3A_8, %get3A_9] : memref<8x64xf32, #tpu.memory_space<vmem>>, vector<8x64xf32>
    %get3A_11 = arith.constant 0 : index
    %get3A_12 = arith.constant 0 : index
    %get3A_13 = vector.load %arg6[%get3A_11, %get3A_12] : memref<8x1xf32, #tpu.memory_space<vmem>>, vector<8x1xf32>
    %get3A_14 = arith.constant 0 : index
    %get3A_15 = arith.constant 0 : index
    %get3A_16 = arith.constant 0 : index
    %get3A_17 = vector.load %arg2[%get3A_14, %get3A_15, %get3A_16] : memref<16x512x128xf32, #tpu.memory_space<vmem>>, vector<1x512x128xf32>
    %get3A_18 = vector.shape_cast %get3A_17 : vector<1x512x128xf32> to vector<512x128xf32>
    %transpose3A = tpu.transpose %get3A_18, [1, 0] : vector<512x128xf32> -> vector<128x512xf32>
    %sub3A = arith.subf %transpose3A, %get3A_1 : vector<128x512xf32>
    %dot_general3A = arith.constant dense<0.000000e+00> : vector<64x512xf32>
    %dot_general3A_19 = tpu.matmul %get3A_4, %sub3A, %dot_general3A {dimension_numbers = #tpu.dot_dimension_numbers<[1], [0], [0], [1], [0, 0, 1, 1], [], []>, transpose_lhs_hint = false} : vector<64x128xf32>, vector<128x512xf32>, vector<64x512xf32> -> vector<64x512xf32>
    %add3A = vector.broadcast %get3A_7 : vector<64x1xf32> to vector<64x512xf32>
    %add3A_20 = arith.addf %dot_general3A_19, %add3A : vector<64x512xf32>
    %max3A = arith.constant 0.000000e+00 : f32
    %max3A_21 = vector.broadcast %max3A : f32 to vector<64x512xf32>
    %max3A_22 = arith.maximumf %add3A_20, %max3A_21 : vector<64x512xf32>
    %dot_general3A_23 = arith.constant dense<0.000000e+00> : vector<8x512xf32>
    %dot_general3A_24 = tpu.matmul %get3A_10, %max3A_22, %dot_general3A_23 {dimension_numbers = #tpu.dot_dimension_numbers<[1], [0], [0], [1], [0, 0, 1, 1], [], []>, transpose_lhs_hint = false} : vector<8x64xf32>, vector<64x512xf32>, vector<8x512xf32> -> vector<8x512xf32>
    %add3A_25 = vector.broadcast %get3A_13 : vector<8x1xf32> to vector<8x512xf32>
    %add3A_26 = arith.addf %dot_general3A_24, %add3A_25 : vector<8x512xf32>
    %get3A_27 = arith.constant 1 : index
    %get3A_28 = arith.constant 0 : index
    %get3A_29 = arith.constant 0 : index
    %get3A_30 = vector.load %arg2[%get3A_27, %get3A_28, %get3A_29] : memref<16x512x128xf32, #tpu.memory_space<vmem>>, vector<1x512x128xf32>
    %get3A_31 = vector.shape_cast %get3A_30 : vector<1x512x128xf32> to vector<512x128xf32>
    %transpose3A_32 = tpu.transpose %get3A_31, [1, 0] : vector<512x128xf32> -> vector<128x512xf32>
    %sub3A_33 = arith.subf %transpose3A_32, %get3A_1 : vector<128x512xf32>
    %dot_general3A_34 = arith.constant dense<0.000000e+00> : vector<64x512xf32>
    %dot_general3A_35 = tpu.matmul %get3A_4, %sub3A_33, %dot_general3A_34 {dimension_numbers = #tpu.dot_dimension_numbers<[1], [0], [0], [1], [0, 0, 1, 1], [], []>, transpose_lhs_hint = false} : vector<64x128xf32>, vector<128x512xf32>, vector<64x512xf32> -> vector<64x512xf32>
    %add3A_36 = vector.broadcast %get3A_7 : vector<64x1xf32> to vector<64x512xf32>
    %add3A_37 = arith.addf %dot_general3A_35, %add3A_36 : vector<64x512xf32>
    %max3A_38 = arith.constant 0.000000e+00 : f32
    %max3A_39 = vector.broadcast %max3A_38 : f32 to vector<64x512xf32>
    %max3A_40 = arith.maximumf %add3A_37, %max3A_39 : vector<64x512xf32>
    %dot_general3A_41 = arith.constant dense<0.000000e+00> : vector<8x512xf32>
    %dot_general3A_42 = tpu.matmul %get3A_10, %max3A_40, %dot_general3A_41 {dimension_numbers = #tpu.dot_dimension_numbers<[1], [0], [0], [1], [0, 0, 1, 1], [], []>, transpose_lhs_hint = false} : vector<8x64xf32>, vector<64x512xf32>, vector<8x512xf32> -> vector<8x512xf32>
    %add3A_43 = vector.broadcast %get3A_13 : vector<8x1xf32> to vector<8x512xf32>
    %add3A_44 = arith.addf %dot_general3A_42, %add3A_43 : vector<8x512xf32>
    %get3A_45 = arith.constant 2 : index
    %get3A_46 = arith.constant 0 : index
    %get3A_47 = arith.constant 0 : index
    %get3A_48 = vector.load %arg2[%get3A_45, %get3A_46, %get3A_47] : memref<16x512x128xf32, #tpu.memory_space<vmem>>, vector<1x512x128xf32>
    %get3A_49 = vector.shape_cast %get3A_48 : vector<1x512x128xf32> to vector<512x128xf32>
    %transpose3A_50 = tpu.transpose %get3A_49, [1, 0] : vector<512x128xf32> -> vector<128x512xf32>
    %sub3A_51 = arith.subf %transpose3A_50, %get3A_1 : vector<128x512xf32>
    %dot_general3A_52 = arith.constant dense<0.000000e+00> : vector<64x512xf32>
    %dot_general3A_53 = tpu.matmul %get3A_4, %sub3A_51, %dot_general3A_52 {dimension_numbers = #tpu.dot_dimension_numbers<[1], [0], [0], [1], [0, 0, 1, 1], [], []>, transpose_lhs_hint = false} : vector<64x128xf32>, vector<128x512xf32>, vector<64x512xf32> -> vector<64x512xf32>
    %add3A_54 = vector.broadcast %get3A_7 : vector<64x1xf32> to vector<64x512xf32>
    %add3A_55 = arith.addf %dot_general3A_53, %add3A_54 : vector<64x512xf32>
    %max3A_56 = arith.constant 0.000000e+00 : f32
    %max3A_57 = vector.broadcast %max3A_56 : f32 to vector<64x512xf32>
    %max3A_58 = arith.maximumf %add3A_55, %max3A_57 : vector<64x512xf32>
    %dot_general3A_59 = arith.constant dense<0.000000e+00> : vector<8x512xf32>
    %dot_general3A_60 = tpu.matmul %get3A_10, %max3A_58, %dot_general3A_59 {dimension_numbers = #tpu.dot_dimension_numbers<[1], [0], [0], [1], [0, 0, 1, 1], [], []>, transpose_lhs_hint = false} : vector<8x64xf32>, vector<64x512xf32>, vector<8x512xf32> -> vector<8x512xf32>
    %add3A_61 = vector.broadcast %get3A_13 : vector<8x1xf32> to vector<8x512xf32>
    %add3A_62 = arith.addf %dot_general3A_60, %add3A_61 : vector<8x512xf32>
    %get3A_63 = arith.constant 3 : index
    %get3A_64 = arith.constant 0 : index
    %get3A_65 = arith.constant 0 : index
    %get3A_66 = vector.load %arg2[%get3A_63, %get3A_64, %get3A_65] : memref<16x512x128xf32, #tpu.memory_space<vmem>>, vector<1x512x128xf32>
    %get3A_67 = vector.shape_cast %get3A_66 : vector<1x512x128xf32> to vector<512x128xf32>
    %transpose3A_68 = tpu.transpose %get3A_67, [1, 0] : vector<512x128xf32> -> vector<128x512xf32>
    %sub3A_69 = arith.subf %transpose3A_68, %get3A_1 : vector<128x512xf32>
    %dot_general3A_70 = arith.constant dense<0.000000e+00> : vector<64x512xf32>
    %dot_general3A_71 = tpu.matmul %get3A_4, %sub3A_69, %dot_general3A_70 {dimension_numbers = #tpu.dot_dimension_numbers<[1], [0], [0], [1], [0, 0, 1, 1], [], []>, transpose_lhs_hint = false} : vector<64x128xf32>, vector<128x512xf32>, vector<64x512xf32> -> vector<64x512xf32>
    %add3A_72 = vector.broadcast %get3A_7 : vector<64x1xf32> to vector<64x512xf32>
    %add3A_73 = arith.addf %dot_general3A_71, %add3A_72 : vector<64x512xf32>
    %max3A_74 = arith.constant 0.000000e+00 : f32
    %max3A_75 = vector.broadcast %max3A_74 : f32 to vector<64x512xf32>
    %max3A_76 = arith.maximumf %add3A_73, %max3A_75 : vector<64x512xf32>
    %dot_general3A_77 = arith.constant dense<0.000000e+00> : vector<8x512xf32>
    %dot_general3A_78 = tpu.matmul %get3A_10, %max3A_76, %dot_general3A_77 {dimension_numbers = #tpu.dot_dimension_numbers<[1], [0], [0], [1], [0, 0, 1, 1], [], []>, transpose_lhs_hint = false} : vector<8x64xf32>, vector<64x512xf32>, vector<8x512xf32> -> vector<8x512xf32>
    %add3A_79 = vector.broadcast %get3A_13 : vector<8x1xf32> to vector<8x512xf32>
    %add3A_80 = arith.addf %dot_general3A_78, %add3A_79 : vector<8x512xf32>
    %get3A_81 = arith.constant 4 : index
    %get3A_82 = arith.constant 0 : index
    %get3A_83 = arith.constant 0 : index
    %get3A_84 = vector.load %arg2[%get3A_81, %get3A_82, %get3A_83] : memref<16x512x128xf32, #tpu.memory_space<vmem>>, vector<1x512x128xf32>
    %get3A_85 = vector.shape_cast %get3A_84 : vector<1x512x128xf32> to vector<512x128xf32>
    %transpose3A_86 = tpu.transpose %get3A_85, [1, 0] : vector<512x128xf32> -> vector<128x512xf32>
    %sub3A_87 = arith.subf %transpose3A_86, %get3A_1 : vector<128x512xf32>
    %dot_general3A_88 = arith.constant dense<0.000000e+00> : vector<64x512xf32>
    %dot_general3A_89 = tpu.matmul %get3A_4, %sub3A_87, %dot_general3A_88 {dimension_numbers = #tpu.dot_dimension_numbers<[1], [0], [0], [1], [0, 0, 1, 1], [], []>, transpose_lhs_hint = false} : vector<64x128xf32>, vector<128x512xf32>, vector<64x512xf32> -> vector<64x512xf32>
    %add3A_90 = vector.broadcast %get3A_7 : vector<64x1xf32> to vector<64x512xf32>
    %add3A_91 = arith.addf %dot_general3A_89, %add3A_90 : vector<64x512xf32>
    %max3A_92 = arith.constant 0.000000e+00 : f32
    %max3A_93 = vector.broadcast %max3A_92 : f32 to vector<64x512xf32>
    %max3A_94 = arith.maximumf %add3A_91, %max3A_93 : vector<64x512xf32>
    %dot_general3A_95 = arith.constant dense<0.000000e+00> : vector<8x512xf32>
    %dot_general3A_96 = tpu.matmul %get3A_10, %max3A_94, %dot_general3A_95 {dimension_numbers = #tpu.dot_dimension_numbers<[1], [0], [0], [1], [0, 0, 1, 1], [], []>, transpose_lhs_hint = false} : vector<8x64xf32>, vector<64x512xf32>, vector<8x512xf32> -> vector<8x512xf32>
    %add3A_97 = vector.broadcast %get3A_13 : vector<8x1xf32> to vector<8x512xf32>
    %add3A_98 = arith.addf %dot_general3A_96, %add3A_97 : vector<8x512xf32>
    %get3A_99 = arith.constant 5 : index
    %get3A_100 = arith.constant 0 : index
    %get3A_101 = arith.constant 0 : index
    %get3A_102 = vector.load %arg2[%get3A_99, %get3A_100, %get3A_101] : memref<16x512x128xf32, #tpu.memory_space<vmem>>, vector<1x512x128xf32>
    %get3A_103 = vector.shape_cast %get3A_102 : vector<1x512x128xf32> to vector<512x128xf32>
    %transpose3A_104 = tpu.transpose %get3A_103, [1, 0] : vector<512x128xf32> -> vector<128x512xf32>
    %sub3A_105 = arith.subf %transpose3A_104, %get3A_1 : vector<128x512xf32>
    %dot_general3A_106 = arith.constant dense<0.000000e+00> : vector<64x512xf32>
    %dot_general3A_107 = tpu.matmul %get3A_4, %sub3A_105, %dot_general3A_106 {dimension_numbers = #tpu.dot_dimension_numbers<[1], [0], [0], [1], [0, 0, 1, 1], [], []>, transpose_lhs_hint = false} : vector<64x128xf32>, vector<128x512xf32>, vector<64x512xf32> -> vector<64x512xf32>
    %add3A_108 = vector.broadcast %get3A_7 : vector<64x1xf32> to vector<64x512xf32>
    %add3A_109 = arith.addf %dot_general3A_107, %add3A_108 : vector<64x512xf32>
    %max3A_110 = arith.constant 0.000000e+00 : f32
    %max3A_111 = vector.broadcast %max3A_110 : f32 to vector<64x512xf32>
    %max3A_112 = arith.maximumf %add3A_109, %max3A_111 : vector<64x512xf32>
    %dot_general3A_113 = arith.constant dense<0.000000e+00> : vector<8x512xf32>
    %dot_general3A_114 = tpu.matmul %get3A_10, %max3A_112, %dot_general3A_113 {dimension_numbers = #tpu.dot_dimension_numbers<[1], [0], [0], [1], [0, 0, 1, 1], [], []>, transpose_lhs_hint = false} : vector<8x64xf32>, vector<64x512xf32>, vector<8x512xf32> -> vector<8x512xf32>
    %add3A_115 = vector.broadcast %get3A_13 : vector<8x1xf32> to vector<8x512xf32>
    %add3A_116 = arith.addf %dot_general3A_114, %add3A_115 : vector<8x512xf32>
    %get3A_117 = arith.constant 6 : index
    %get3A_118 = arith.constant 0 : index
    %get3A_119 = arith.constant 0 : index
    %get3A_120 = vector.load %arg2[%get3A_117, %get3A_118, %get3A_119] : memref<16x512x128xf32, #tpu.memory_space<vmem>>, vector<1x512x128xf32>
    %get3A_121 = vector.shape_cast %get3A_120 : vector<1x512x128xf32> to vector<512x128xf32>
    %transpose3A_122 = tpu.transpose %get3A_121, [1, 0] : vector<512x128xf32> -> vector<128x512xf32>
    %sub3A_123 = arith.subf %transpose3A_122, %get3A_1 : vector<128x512xf32>
    %dot_general3A_124 = arith.constant dense<0.000000e+00> : vector<64x512xf32>
    %dot_general3A_125 = tpu.matmul %get3A_4, %sub3A_123, %dot_general3A_124 {dimension_numbers = #tpu.dot_dimension_numbers<[1], [0], [0], [1], [0, 0, 1, 1], [], []>, transpose_lhs_hint = false} : vector<64x128xf32>, vector<128x512xf32>, vector<64x512xf32> -> vector<64x512xf32>
    %add3A_126 = vector.broadcast %get3A_7 : vector<64x1xf32> to vector<64x512xf32>
    %add3A_127 = arith.addf %dot_general3A_125, %add3A_126 : vector<64x512xf32>
    %max3A_128 = arith.constant 0.000000e+00 : f32
    %max3A_129 = vector.broadcast %max3A_128 : f32 to vector<64x512xf32>
    %max3A_130 = arith.maximumf %add3A_127, %max3A_129 : vector<64x512xf32>
    %dot_general3A_131 = arith.constant dense<0.000000e+00> : vector<8x512xf32>
    %dot_general3A_132 = tpu.matmul %get3A_10, %max3A_130, %dot_general3A_131 {dimension_numbers = #tpu.dot_dimension_numbers<[1], [0], [0], [1], [0, 0, 1, 1], [], []>, transpose_lhs_hint = false} : vector<8x64xf32>, vector<64x512xf32>, vector<8x512xf32> -> vector<8x512xf32>
    %add3A_133 = vector.broadcast %get3A_13 : vector<8x1xf32> to vector<8x512xf32>
    %add3A_134 = arith.addf %dot_general3A_132, %add3A_133 : vector<8x512xf32>
    %get3A_135 = arith.constant 7 : index
    %get3A_136 = arith.constant 0 : index
    %get3A_137 = arith.constant 0 : index
    %get3A_138 = vector.load %arg2[%get3A_135, %get3A_136, %get3A_137] : memref<16x512x128xf32, #tpu.memory_space<vmem>>, vector<1x512x128xf32>
    %get3A_139 = vector.shape_cast %get3A_138 : vector<1x512x128xf32> to vector<512x128xf32>
    %transpose3A_140 = tpu.transpose %get3A_139, [1, 0] : vector<512x128xf32> -> vector<128x512xf32>
    %sub3A_141 = arith.subf %transpose3A_140, %get3A_1 : vector<128x512xf32>
    %dot_general3A_142 = arith.constant dense<0.000000e+00> : vector<64x512xf32>
    %dot_general3A_143 = tpu.matmul %get3A_4, %sub3A_141, %dot_general3A_142 {dimension_numbers = #tpu.dot_dimension_numbers<[1], [0], [0], [1], [0, 0, 1, 1], [], []>, transpose_lhs_hint = false} : vector<64x128xf32>, vector<128x512xf32>, vector<64x512xf32> -> vector<64x512xf32>
    %add3A_144 = vector.broadcast %get3A_7 : vector<64x1xf32> to vector<64x512xf32>
    %add3A_145 = arith.addf %dot_general3A_143, %add3A_144 : vector<64x512xf32>
    %max3A_146 = arith.constant 0.000000e+00 : f32
    %max3A_147 = vector.broadcast %max3A_146 : f32 to vector<64x512xf32>
    %max3A_148 = arith.maximumf %add3A_145, %max3A_147 : vector<64x512xf32>
    %dot_general3A_149 = arith.constant dense<0.000000e+00> : vector<8x512xf32>
    %dot_general3A_150 = tpu.matmul %get3A_10, %max3A_148, %dot_general3A_149 {dimension_numbers = #tpu.dot_dimension_numbers<[1], [0], [0], [1], [0, 0, 1, 1], [], []>, transpose_lhs_hint = false} : vector<8x64xf32>, vector<64x512xf32>, vector<8x512xf32> -> vector<8x512xf32>
    %add3A_151 = vector.broadcast %get3A_13 : vector<8x1xf32> to vector<8x512xf32>
    %add3A_152 = arith.addf %dot_general3A_150, %add3A_151 : vector<8x512xf32>
    %get3A_153 = arith.constant 8 : index
    %get3A_154 = arith.constant 0 : index
    %get3A_155 = arith.constant 0 : index
    %get3A_156 = vector.load %arg2[%get3A_153, %get3A_154, %get3A_155] : memref<16x512x128xf32, #tpu.memory_space<vmem>>, vector<1x512x128xf32>
    %get3A_157 = vector.shape_cast %get3A_156 : vector<1x512x128xf32> to vector<512x128xf32>
    %transpose3A_158 = tpu.transpose %get3A_157, [1, 0] : vector<512x128xf32> -> vector<128x512xf32>
    %sub3A_159 = arith.subf %transpose3A_158, %get3A_1 : vector<128x512xf32>
    %dot_general3A_160 = arith.constant dense<0.000000e+00> : vector<64x512xf32>
    %dot_general3A_161 = tpu.matmul %get3A_4, %sub3A_159, %dot_general3A_160 {dimension_numbers = #tpu.dot_dimension_numbers<[1], [0], [0], [1], [0, 0, 1, 1], [], []>, transpose_lhs_hint = false} : vector<64x128xf32>, vector<128x512xf32>, vector<64x512xf32> -> vector<64x512xf32>
    %add3A_162 = vector.broadcast %get3A_7 : vector<64x1xf32> to vector<64x512xf32>
    %add3A_163 = arith.addf %dot_general3A_161, %add3A_162 : vector<64x512xf32>
    %max3A_164 = arith.constant 0.000000e+00 : f32
    %max3A_165 = vector.broadcast %max3A_164 : f32 to vector<64x512xf32>
    %max3A_166 = arith.maximumf %add3A_163, %max3A_165 : vector<64x512xf32>
    %dot_general3A_167 = arith.constant dense<0.000000e+00> : vector<8x512xf32>
    %dot_general3A_168 = tpu.matmul %get3A_10, %max3A_166, %dot_general3A_167 {dimension_numbers = #tpu.dot_dimension_numbers<[1], [0], [0], [1], [0, 0, 1, 1], [], []>, transpose_lhs_hint = false} : vector<8x64xf32>, vector<64x512xf32>, vector<8x512xf32> -> vector<8x512xf32>
    %add3A_169 = vector.broadcast %get3A_13 : vector<8x1xf32> to vector<8x512xf32>
    %add3A_170 = arith.addf %dot_general3A_168, %add3A_169 : vector<8x512xf32>
    %get3A_171 = arith.constant 9 : index
    %get3A_172 = arith.constant 0 : index
    %get3A_173 = arith.constant 0 : index
    %get3A_174 = vector.load %arg2[%get3A_171, %get3A_172, %get3A_173] : memref<16x512x128xf32, #tpu.memory_space<vmem>>, vector<1x512x128xf32>
    %get3A_175 = vector.shape_cast %get3A_174 : vector<1x512x128xf32> to vector<512x128xf32>
    %transpose3A_176 = tpu.transpose %get3A_175, [1, 0] : vector<512x128xf32> -> vector<128x512xf32>
    %sub3A_177 = arith.subf %transpose3A_176, %get3A_1 : vector<128x512xf32>
    %dot_general3A_178 = arith.constant dense<0.000000e+00> : vector<64x512xf32>
    %dot_general3A_179 = tpu.matmul %get3A_4, %sub3A_177, %dot_general3A_178 {dimension_numbers = #tpu.dot_dimension_numbers<[1], [0], [0], [1], [0, 0, 1, 1], [], []>, transpose_lhs_hint = false} : vector<64x128xf32>, vector<128x512xf32>, vector<64x512xf32> -> vector<64x512xf32>
    %add3A_180 = vector.broadcast %get3A_7 : vector<64x1xf32> to vector<64x512xf32>
    %add3A_181 = arith.addf %dot_general3A_179, %add3A_180 : vector<64x512xf32>
    %max3A_182 = arith.constant 0.000000e+00 : f32
    %max3A_183 = vector.broadcast %max3A_182 : f32 to vector<64x512xf32>
    %max3A_184 = arith.maximumf %add3A_181, %max3A_183 : vector<64x512xf32>
    %dot_general3A_185 = arith.constant dense<0.000000e+00> : vector<8x512xf32>
    %dot_general3A_186 = tpu.matmul %get3A_10, %max3A_184, %dot_general3A_185 {dimension_numbers = #tpu.dot_dimension_numbers<[1], [0], [0], [1], [0, 0, 1, 1], [], []>, transpose_lhs_hint = false} : vector<8x64xf32>, vector<64x512xf32>, vector<8x512xf32> -> vector<8x512xf32>
    %add3A_187 = vector.broadcast %get3A_13 : vector<8x1xf32> to vector<8x512xf32>
    %add3A_188 = arith.addf %dot_general3A_186, %add3A_187 : vector<8x512xf32>
    %get3A_189 = arith.constant 10 : index
    %get3A_190 = arith.constant 0 : index
    %get3A_191 = arith.constant 0 : index
    %get3A_192 = vector.load %arg2[%get3A_189, %get3A_190, %get3A_191] : memref<16x512x128xf32, #tpu.memory_space<vmem>>, vector<1x512x128xf32>
    %get3A_193 = vector.shape_cast %get3A_192 : vector<1x512x128xf32> to vector<512x128xf32>
    %transpose3A_194 = tpu.transpose %get3A_193, [1, 0] : vector<512x128xf32> -> vector<128x512xf32>
    %sub3A_195 = arith.subf %transpose3A_194, %get3A_1 : vector<128x512xf32>
    %dot_general3A_196 = arith.constant dense<0.000000e+00> : vector<64x512xf32>
    %dot_general3A_197 = tpu.matmul %get3A_4, %sub3A_195, %dot_general3A_196 {dimension_numbers = #tpu.dot_dimension_numbers<[1], [0], [0], [1], [0, 0, 1, 1], [], []>, transpose_lhs_hint = false} : vector<64x128xf32>, vector<128x512xf32>, vector<64x512xf32> -> vector<64x512xf32>
    %add3A_198 = vector.broadcast %get3A_7 : vector<64x1xf32> to vector<64x512xf32>
    %add3A_199 = arith.addf %dot_general3A_197, %add3A_198 : vector<64x512xf32>
    %max3A_200 = arith.constant 0.000000e+00 : f32
    %max3A_201 = vector.broadcast %max3A_200 : f32 to vector<64x512xf32>
    %max3A_202 = arith.maximumf %add3A_199, %max3A_201 : vector<64x512xf32>
    %dot_general3A_203 = arith.constant dense<0.000000e+00> : vector<8x512xf32>
    %dot_general3A_204 = tpu.matmul %get3A_10, %max3A_202, %dot_general3A_203 {dimension_numbers = #tpu.dot_dimension_numbers<[1], [0], [0], [1], [0, 0, 1, 1], [], []>, transpose_lhs_hint = false} : vector<8x64xf32>, vector<64x512xf32>, vector<8x512xf32> -> vector<8x512xf32>
    %add3A_205 = vector.broadcast %get3A_13 : vector<8x1xf32> to vector<8x512xf32>
    %add3A_206 = arith.addf %dot_general3A_204, %add3A_205 : vector<8x512xf32>
    %get3A_207 = arith.constant 11 : index
    %get3A_208 = arith.constant 0 : index
    %get3A_209 = arith.constant 0 : index
    %get3A_210 = vector.load %arg2[%get3A_207, %get3A_208, %get3A_209] : memref<16x512x128xf32, #tpu.memory_space<vmem>>, vector<1x512x128xf32>
    %get3A_211 = vector.shape_cast %get3A_210 : vector<1x512x128xf32> to vector<512x128xf32>
    %transpose3A_212 = tpu.transpose %get3A_211, [1, 0] : vector<512x128xf32> -> vector<128x512xf32>
    %sub3A_213 = arith.subf %transpose3A_212, %get3A_1 : vector<128x512xf32>
    %dot_general3A_214 = arith.constant dense<0.000000e+00> : vector<64x512xf32>
    %dot_general3A_215 = tpu.matmul %get3A_4, %sub3A_213, %dot_general3A_214 {dimension_numbers = #tpu.dot_dimension_numbers<[1], [0], [0], [1], [0, 0, 1, 1], [], []>, transpose_lhs_hint = false} : vector<64x128xf32>, vector<128x512xf32>, vector<64x512xf32> -> vector<64x512xf32>
    %add3A_216 = vector.broadcast %get3A_7 : vector<64x1xf32> to vector<64x512xf32>
    %add3A_217 = arith.addf %dot_general3A_215, %add3A_216 : vector<64x512xf32>
    %max3A_218 = arith.constant 0.000000e+00 : f32
    %max3A_219 = vector.broadcast %max3A_218 : f32 to vector<64x512xf32>
    %max3A_220 = arith.maximumf %add3A_217, %max3A_219 : vector<64x512xf32>
    %dot_general3A_221 = arith.constant dense<0.000000e+00> : vector<8x512xf32>
    %dot_general3A_222 = tpu.matmul %get3A_10, %max3A_220, %dot_general3A_221 {dimension_numbers = #tpu.dot_dimension_numbers<[1], [0], [0], [1], [0, 0, 1, 1], [], []>, transpose_lhs_hint = false} : vector<8x64xf32>, vector<64x512xf32>, vector<8x512xf32> -> vector<8x512xf32>
    %add3A_223 = vector.broadcast %get3A_13 : vector<8x1xf32> to vector<8x512xf32>
    %add3A_224 = arith.addf %dot_general3A_222, %add3A_223 : vector<8x512xf32>
    %get3A_225 = arith.constant 12 : index
    %get3A_226 = arith.constant 0 : index
    %get3A_227 = arith.constant 0 : index
    %get3A_228 = vector.load %arg2[%get3A_225, %get3A_226, %get3A_227] : memref<16x512x128xf32, #tpu.memory_space<vmem>>, vector<1x512x128xf32>
    %get3A_229 = vector.shape_cast %get3A_228 : vector<1x512x128xf32> to vector<512x128xf32>
    %transpose3A_230 = tpu.transpose %get3A_229, [1, 0] : vector<512x128xf32> -> vector<128x512xf32>
    %sub3A_231 = arith.subf %transpose3A_230, %get3A_1 : vector<128x512xf32>
    %dot_general3A_232 = arith.constant dense<0.000000e+00> : vector<64x512xf32>
    %dot_general3A_233 = tpu.matmul %get3A_4, %sub3A_231, %dot_general3A_232 {dimension_numbers = #tpu.dot_dimension_numbers<[1], [0], [0], [1], [0, 0, 1, 1], [], []>, transpose_lhs_hint = false} : vector<64x128xf32>, vector<128x512xf32>, vector<64x512xf32> -> vector<64x512xf32>
    %add3A_234 = vector.broadcast %get3A_7 : vector<64x1xf32> to vector<64x512xf32>
    %add3A_235 = arith.addf %dot_general3A_233, %add3A_234 : vector<64x512xf32>
    %max3A_236 = arith.constant 0.000000e+00 : f32
    %max3A_237 = vector.broadcast %max3A_236 : f32 to vector<64x512xf32>
    %max3A_238 = arith.maximumf %add3A_235, %max3A_237 : vector<64x512xf32>
    %dot_general3A_239 = arith.constant dense<0.000000e+00> : vector<8x512xf32>
    %dot_general3A_240 = tpu.matmul %get3A_10, %max3A_238, %dot_general3A_239 {dimension_numbers = #tpu.dot_dimension_numbers<[1], [0], [0], [1], [0, 0, 1, 1], [], []>, transpose_lhs_hint = false} : vector<8x64xf32>, vector<64x512xf32>, vector<8x512xf32> -> vector<8x512xf32>
    %add3A_241 = vector.broadcast %get3A_13 : vector<8x1xf32> to vector<8x512xf32>
    %add3A_242 = arith.addf %dot_general3A_240, %add3A_241 : vector<8x512xf32>
    %get3A_243 = arith.constant 13 : index
    %get3A_244 = arith.constant 0 : index
    %get3A_245 = arith.constant 0 : index
    %get3A_246 = vector.load %arg2[%get3A_243, %get3A_244, %get3A_245] : memref<16x512x128xf32, #tpu.memory_space<vmem>>, vector<1x512x128xf32>
    %get3A_247 = vector.shape_cast %get3A_246 : vector<1x512x128xf32> to vector<512x128xf32>
    %transpose3A_248 = tpu.transpose %get3A_247, [1, 0] : vector<512x128xf32> -> vector<128x512xf32>
    %sub3A_249 = arith.subf %transpose3A_248, %get3A_1 : vector<128x512xf32>
    %dot_general3A_250 = arith.constant dense<0.000000e+00> : vector<64x512xf32>
    %dot_general3A_251 = tpu.matmul %get3A_4, %sub3A_249, %dot_general3A_250 {dimension_numbers = #tpu.dot_dimension_numbers<[1], [0], [0], [1], [0, 0, 1, 1], [], []>, transpose_lhs_hint = false} : vector<64x128xf32>, vector<128x512xf32>, vector<64x512xf32> -> vector<64x512xf32>
    %add3A_252 = vector.broadcast %get3A_7 : vector<64x1xf32> to vector<64x512xf32>
    %add3A_253 = arith.addf %dot_general3A_251, %add3A_252 : vector<64x512xf32>
    %max3A_254 = arith.constant 0.000000e+00 : f32
    %max3A_255 = vector.broadcast %max3A_254 : f32 to vector<64x512xf32>
    %max3A_256 = arith.maximumf %add3A_253, %max3A_255 : vector<64x512xf32>
    %dot_general3A_257 = arith.constant dense<0.000000e+00> : vector<8x512xf32>
    %dot_general3A_258 = tpu.matmul %get3A_10, %max3A_256, %dot_general3A_257 {dimension_numbers = #tpu.dot_dimension_numbers<[1], [0], [0], [1], [0, 0, 1, 1], [], []>, transpose_lhs_hint = false} : vector<8x64xf32>, vector<64x512xf32>, vector<8x512xf32> -> vector<8x512xf32>
    %add3A_259 = vector.broadcast %get3A_13 : vector<8x1xf32> to vector<8x512xf32>
    %add3A_260 = arith.addf %dot_general3A_258, %add3A_259 : vector<8x512xf32>
    %get3A_261 = arith.constant 14 : index
    %get3A_262 = arith.constant 0 : index
    %get3A_263 = arith.constant 0 : index
    %get3A_264 = vector.load %arg2[%get3A_261, %get3A_262, %get3A_263] : memref<16x512x128xf32, #tpu.memory_space<vmem>>, vector<1x512x128xf32>
    %get3A_265 = vector.shape_cast %get3A_264 : vector<1x512x128xf32> to vector<512x128xf32>
    %transpose3A_266 = tpu.transpose %get3A_265, [1, 0] : vector<512x128xf32> -> vector<128x512xf32>
    %sub3A_267 = arith.subf %transpose3A_266, %get3A_1 : vector<128x512xf32>
    %dot_general3A_268 = arith.constant dense<0.000000e+00> : vector<64x512xf32>
    %dot_general3A_269 = tpu.matmul %get3A_4, %sub3A_267, %dot_general3A_268 {dimension_numbers = #tpu.dot_dimension_numbers<[1], [0], [0], [1], [0, 0, 1, 1], [], []>, transpose_lhs_hint = false} : vector<64x128xf32>, vector<128x512xf32>, vector<64x512xf32> -> vector<64x512xf32>
    %add3A_270 = vector.broadcast %get3A_7 : vector<64x1xf32> to vector<64x512xf32>
    %add3A_271 = arith.addf %dot_general3A_269, %add3A_270 : vector<64x512xf32>
    %max3A_272 = arith.constant 0.000000e+00 : f32
    %max3A_273 = vector.broadcast %max3A_272 : f32 to vector<64x512xf32>
    %max3A_274 = arith.maximumf %add3A_271, %max3A_273 : vector<64x512xf32>
    %dot_general3A_275 = arith.constant dense<0.000000e+00> : vector<8x512xf32>
    %dot_general3A_276 = tpu.matmul %get3A_10, %max3A_274, %dot_general3A_275 {dimension_numbers = #tpu.dot_dimension_numbers<[1], [0], [0], [1], [0, 0, 1, 1], [], []>, transpose_lhs_hint = false} : vector<8x64xf32>, vector<64x512xf32>, vector<8x512xf32> -> vector<8x512xf32>
    %add3A_277 = vector.broadcast %get3A_13 : vector<8x1xf32> to vector<8x512xf32>
    %add3A_278 = arith.addf %dot_general3A_276, %add3A_277 : vector<8x512xf32>
    %get3A_279 = arith.constant 15 : index
    %get3A_280 = arith.constant 0 : index
    %get3A_281 = arith.constant 0 : index
    %get3A_282 = vector.load %arg2[%get3A_279, %get3A_280, %get3A_281] : memref<16x512x128xf32, #tpu.memory_space<vmem>>, vector<1x512x128xf32>
    %get3A_283 = vector.shape_cast %get3A_282 : vector<1x512x128xf32> to vector<512x128xf32>
    %transpose3A_284 = tpu.transpose %get3A_283, [1, 0] : vector<512x128xf32> -> vector<128x512xf32>
    %sub3A_285 = arith.subf %transpose3A_284, %get3A_1 : vector<128x512xf32>
    %dot_general3A_286 = arith.constant dense<0.000000e+00> : vector<64x512xf32>
    %dot_general3A_287 = tpu.matmul %get3A_4, %sub3A_285, %dot_general3A_286 {dimension_numbers = #tpu.dot_dimension_numbers<[1], [0], [0], [1], [0, 0, 1, 1], [], []>, transpose_lhs_hint = false} : vector<64x128xf32>, vector<128x512xf32>, vector<64x512xf32> -> vector<64x512xf32>
    %add3A_288 = vector.broadcast %get3A_7 : vector<64x1xf32> to vector<64x512xf32>
    %add3A_289 = arith.addf %dot_general3A_287, %add3A_288 : vector<64x512xf32>
    %max3A_290 = arith.constant 0.000000e+00 : f32
    %max3A_291 = vector.broadcast %max3A_290 : f32 to vector<64x512xf32>
    %max3A_292 = arith.maximumf %add3A_289, %max3A_291 : vector<64x512xf32>
    %dot_general3A_293 = arith.constant dense<0.000000e+00> : vector<8x512xf32>
    %dot_general3A_294 = tpu.matmul %get3A_10, %max3A_292, %dot_general3A_293 {dimension_numbers = #tpu.dot_dimension_numbers<[1], [0], [0], [1], [0, 0, 1, 1], [], []>, transpose_lhs_hint = false} : vector<8x64xf32>, vector<64x512xf32>, vector<8x512xf32> -> vector<8x512xf32>
    %add3A_295 = vector.broadcast %get3A_13 : vector<8x1xf32> to vector<8x512xf32>
    %add3A_296 = arith.addf %dot_general3A_294, %add3A_295 : vector<8x512xf32>
    %concatenate3A = tpu.concatenate %add3A_26, %add3A_44, %add3A_62, %add3A_80, %add3A_98, %add3A_116, %add3A_134, %add3A_152, %add3A_170, %add3A_188, %add3A_206, %add3A_224, %add3A_242, %add3A_260, %add3A_278, %add3A_296 in 0 : vector<8x512xf32>, vector<8x512xf32>, vector<8x512xf32>, vector<8x512xf32>, vector<8x512xf32>, vector<8x512xf32>, vector<8x512xf32>, vector<8x512xf32>, vector<8x512xf32>, vector<8x512xf32>, vector<8x512xf32>, vector<8x512xf32>, vector<8x512xf32>, vector<8x512xf32>, vector<8x512xf32>, vector<8x512xf32> -> vector<128x512xf32>
    %reshape3A = vector.shape_cast %concatenate3A : vector<128x512xf32> to vector<16x8x512xf32>
    %reduce_max3A = arith.constant dense<0xFF800000> : vector<16x512xf32>
    %reduce_max3A_297 = vector.multi_reduction <maximumf>, %reshape3A, %reduce_max3A [1] : vector<16x8x512xf32> to vector<16x512xf32>
    %broadcast_in_dim3A = vector.shape_cast %reduce_max3A_297 : vector<16x512xf32> to vector<16x1x512xf32>
    %sub3A_298 = vector.broadcast %broadcast_in_dim3A : vector<16x1x512xf32> to vector<16x8x512xf32>
    %sub3A_299 = arith.subf %reshape3A, %sub3A_298 : vector<16x8x512xf32>
    %exp3A = math.exp %sub3A_299 : vector<16x8x512xf32>
    %reduce_sum3A = arith.constant dense<0.000000e+00> : vector<16x512xf32>
    %reduce_sum3A_300 = vector.multi_reduction <add>, %exp3A, %reduce_sum3A [1] : vector<16x8x512xf32> to vector<16x512xf32>
    %broadcast_in_dim3A_301 = vector.shape_cast %reduce_sum3A_300 : vector<16x512xf32> to vector<16x1x512xf32>
    %div3A = vector.broadcast %broadcast_in_dim3A_301 : vector<16x1x512xf32> to vector<16x8x512xf32>
    %div3A_302 = arith.divf %exp3A, %div3A : vector<16x8x512xf32>
    %slice3A = vector.extract_strided_slice %div3A_302 {offsets = [0, 0, 0], sizes = [1, 1, 512], strides = [1, 1, 1]} : vector<16x8x512xf32> to vector<1x1x512xf32>
    %squeeze3A = vector.shape_cast %slice3A : vector<1x1x512xf32> to vector<512xf32>
    %broadcast_in_dim3A_303 = vector.shape_cast %squeeze3A : vector<512xf32> to vector<1x512xf32>
    %mul3A = vector.broadcast %broadcast_in_dim3A_303 : vector<1x512xf32> to vector<128x512xf32>
    %mul3A_304 = arith.mulf %mul3A, %transpose3A : vector<128x512xf32>
    %slice3A_305 = vector.extract_strided_slice %div3A_302 {offsets = [1, 0, 0], sizes = [1, 1, 512], strides = [1, 1, 1]} : vector<16x8x512xf32> to vector<1x1x512xf32>
    %squeeze3A_306 = vector.shape_cast %slice3A_305 : vector<1x1x512xf32> to vector<512xf32>
    %broadcast_in_dim3A_307 = vector.shape_cast %squeeze3A_306 : vector<512xf32> to vector<1x512xf32>
    %mul3A_308 = vector.broadcast %broadcast_in_dim3A_307 : vector<1x512xf32> to vector<128x512xf32>
    %mul3A_309 = arith.mulf %mul3A_308, %transpose3A_32 : vector<128x512xf32>
    %add3A_310 = arith.addf %mul3A_304, %mul3A_309 : vector<128x512xf32>
    %slice3A_311 = vector.extract_strided_slice %div3A_302 {offsets = [2, 0, 0], sizes = [1, 1, 512], strides = [1, 1, 1]} : vector<16x8x512xf32> to vector<1x1x512xf32>
    %squeeze3A_312 = vector.shape_cast %slice3A_311 : vector<1x1x512xf32> to vector<512xf32>
    %broadcast_in_dim3A_313 = vector.shape_cast %squeeze3A_312 : vector<512xf32> to vector<1x512xf32>
    %mul3A_314 = vector.broadcast %broadcast_in_dim3A_313 : vector<1x512xf32> to vector<128x512xf32>
    %mul3A_315 = arith.mulf %mul3A_314, %transpose3A_50 : vector<128x512xf32>
    %add3A_316 = arith.addf %add3A_310, %mul3A_315 : vector<128x512xf32>
    %slice3A_317 = vector.extract_strided_slice %div3A_302 {offsets = [3, 0, 0], sizes = [1, 1, 512], strides = [1, 1, 1]} : vector<16x8x512xf32> to vector<1x1x512xf32>
    %squeeze3A_318 = vector.shape_cast %slice3A_317 : vector<1x1x512xf32> to vector<512xf32>
    %broadcast_in_dim3A_319 = vector.shape_cast %squeeze3A_318 : vector<512xf32> to vector<1x512xf32>
    %mul3A_320 = vector.broadcast %broadcast_in_dim3A_319 : vector<1x512xf32> to vector<128x512xf32>
    %mul3A_321 = arith.mulf %mul3A_320, %transpose3A_68 : vector<128x512xf32>
    %add3A_322 = arith.addf %add3A_316, %mul3A_321 : vector<128x512xf32>
    %slice3A_323 = vector.extract_strided_slice %div3A_302 {offsets = [4, 0, 0], sizes = [1, 1, 512], strides = [1, 1, 1]} : vector<16x8x512xf32> to vector<1x1x512xf32>
    %squeeze3A_324 = vector.shape_cast %slice3A_323 : vector<1x1x512xf32> to vector<512xf32>
    %broadcast_in_dim3A_325 = vector.shape_cast %squeeze3A_324 : vector<512xf32> to vector<1x512xf32>
    %mul3A_326 = vector.broadcast %broadcast_in_dim3A_325 : vector<1x512xf32> to vector<128x512xf32>
    %mul3A_327 = arith.mulf %mul3A_326, %transpose3A_86 : vector<128x512xf32>
    %add3A_328 = arith.addf %add3A_322, %mul3A_327 : vector<128x512xf32>
    %slice3A_329 = vector.extract_strided_slice %div3A_302 {offsets = [5, 0, 0], sizes = [1, 1, 512], strides = [1, 1, 1]} : vector<16x8x512xf32> to vector<1x1x512xf32>
    %squeeze3A_330 = vector.shape_cast %slice3A_329 : vector<1x1x512xf32> to vector<512xf32>
    %broadcast_in_dim3A_331 = vector.shape_cast %squeeze3A_330 : vector<512xf32> to vector<1x512xf32>
    %mul3A_332 = vector.broadcast %broadcast_in_dim3A_331 : vector<1x512xf32> to vector<128x512xf32>
    %mul3A_333 = arith.mulf %mul3A_332, %transpose3A_104 : vector<128x512xf32>
    %add3A_334 = arith.addf %add3A_328, %mul3A_333 : vector<128x512xf32>
    %slice3A_335 = vector.extract_strided_slice %div3A_302 {offsets = [6, 0, 0], sizes = [1, 1, 512], strides = [1, 1, 1]} : vector<16x8x512xf32> to vector<1x1x512xf32>
    %squeeze3A_336 = vector.shape_cast %slice3A_335 : vector<1x1x512xf32> to vector<512xf32>
    %broadcast_in_dim3A_337 = vector.shape_cast %squeeze3A_336 : vector<512xf32> to vector<1x512xf32>
    %mul3A_338 = vector.broadcast %broadcast_in_dim3A_337 : vector<1x512xf32> to vector<128x512xf32>
    %mul3A_339 = arith.mulf %mul3A_338, %transpose3A_122 : vector<128x512xf32>
    %add3A_340 = arith.addf %add3A_334, %mul3A_339 : vector<128x512xf32>
    %slice3A_341 = vector.extract_strided_slice %div3A_302 {offsets = [7, 0, 0], sizes = [1, 1, 512], strides = [1, 1, 1]} : vector<16x8x512xf32> to vector<1x1x512xf32>
    %squeeze3A_342 = vector.shape_cast %slice3A_341 : vector<1x1x512xf32> to vector<512xf32>
    %broadcast_in_dim3A_343 = vector.shape_cast %squeeze3A_342 : vector<512xf32> to vector<1x512xf32>
    %mul3A_344 = vector.broadcast %broadcast_in_dim3A_343 : vector<1x512xf32> to vector<128x512xf32>
    %mul3A_345 = arith.mulf %mul3A_344, %transpose3A_140 : vector<128x512xf32>
    %add3A_346 = arith.addf %add3A_340, %mul3A_345 : vector<128x512xf32>
    %slice3A_347 = vector.extract_strided_slice %div3A_302 {offsets = [8, 0, 0], sizes = [1, 1, 512], strides = [1, 1, 1]} : vector<16x8x512xf32> to vector<1x1x512xf32>
    %squeeze3A_348 = vector.shape_cast %slice3A_347 : vector<1x1x512xf32> to vector<512xf32>
    %broadcast_in_dim3A_349 = vector.shape_cast %squeeze3A_348 : vector<512xf32> to vector<1x512xf32>
    %mul3A_350 = vector.broadcast %broadcast_in_dim3A_349 : vector<1x512xf32> to vector<128x512xf32>
    %mul3A_351 = arith.mulf %mul3A_350, %transpose3A_158 : vector<128x512xf32>
    %add3A_352 = arith.addf %add3A_346, %mul3A_351 : vector<128x512xf32>
    %slice3A_353 = vector.extract_strided_slice %div3A_302 {offsets = [9, 0, 0], sizes = [1, 1, 512], strides = [1, 1, 1]} : vector<16x8x512xf32> to vector<1x1x512xf32>
    %squeeze3A_354 = vector.shape_cast %slice3A_353 : vector<1x1x512xf32> to vector<512xf32>
    %broadcast_in_dim3A_355 = vector.shape_cast %squeeze3A_354 : vector<512xf32> to vector<1x512xf32>
    %mul3A_356 = vector.broadcast %broadcast_in_dim3A_355 : vector<1x512xf32> to vector<128x512xf32>
    %mul3A_357 = arith.mulf %mul3A_356, %transpose3A_176 : vector<128x512xf32>
    %add3A_358 = arith.addf %add3A_352, %mul3A_357 : vector<128x512xf32>
    %slice3A_359 = vector.extract_strided_slice %div3A_302 {offsets = [10, 0, 0], sizes = [1, 1, 512], strides = [1, 1, 1]} : vector<16x8x512xf32> to vector<1x1x512xf32>
    %squeeze3A_360 = vector.shape_cast %slice3A_359 : vector<1x1x512xf32> to vector<512xf32>
    %broadcast_in_dim3A_361 = vector.shape_cast %squeeze3A_360 : vector<512xf32> to vector<1x512xf32>
    %mul3A_362 = vector.broadcast %broadcast_in_dim3A_361 : vector<1x512xf32> to vector<128x512xf32>
    %mul3A_363 = arith.mulf %mul3A_362, %transpose3A_194 : vector<128x512xf32>
    %add3A_364 = arith.addf %add3A_358, %mul3A_363 : vector<128x512xf32>
    %slice3A_365 = vector.extract_strided_slice %div3A_302 {offsets = [11, 0, 0], sizes = [1, 1, 512], strides = [1, 1, 1]} : vector<16x8x512xf32> to vector<1x1x512xf32>
    %squeeze3A_366 = vector.shape_cast %slice3A_365 : vector<1x1x512xf32> to vector<512xf32>
    %broadcast_in_dim3A_367 = vector.shape_cast %squeeze3A_366 : vector<512xf32> to vector<1x512xf32>
    %mul3A_368 = vector.broadcast %broadcast_in_dim3A_367 : vector<1x512xf32> to vector<128x512xf32>
    %mul3A_369 = arith.mulf %mul3A_368, %transpose3A_212 : vector<128x512xf32>
    %add3A_370 = arith.addf %add3A_364, %mul3A_369 : vector<128x512xf32>
    %slice3A_371 = vector.extract_strided_slice %div3A_302 {offsets = [12, 0, 0], sizes = [1, 1, 512], strides = [1, 1, 1]} : vector<16x8x512xf32> to vector<1x1x512xf32>
    %squeeze3A_372 = vector.shape_cast %slice3A_371 : vector<1x1x512xf32> to vector<512xf32>
    %broadcast_in_dim3A_373 = vector.shape_cast %squeeze3A_372 : vector<512xf32> to vector<1x512xf32>
    %mul3A_374 = vector.broadcast %broadcast_in_dim3A_373 : vector<1x512xf32> to vector<128x512xf32>
    %mul3A_375 = arith.mulf %mul3A_374, %transpose3A_230 : vector<128x512xf32>
    %add3A_376 = arith.addf %add3A_370, %mul3A_375 : vector<128x512xf32>
    %slice3A_377 = vector.extract_strided_slice %div3A_302 {offsets = [13, 0, 0], sizes = [1, 1, 512], strides = [1, 1, 1]} : vector<16x8x512xf32> to vector<1x1x512xf32>
    %squeeze3A_378 = vector.shape_cast %slice3A_377 : vector<1x1x512xf32> to vector<512xf32>
    %broadcast_in_dim3A_379 = vector.shape_cast %squeeze3A_378 : vector<512xf32> to vector<1x512xf32>
    %mul3A_380 = vector.broadcast %broadcast_in_dim3A_379 : vector<1x512xf32> to vector<128x512xf32>
    %mul3A_381 = arith.mulf %mul3A_380, %transpose3A_248 : vector<128x512xf32>
    %add3A_382 = arith.addf %add3A_376, %mul3A_381 : vector<128x512xf32>
    %slice3A_383 = vector.extract_strided_slice %div3A_302 {offsets = [14, 0, 0], sizes = [1, 1, 512], strides = [1, 1, 1]} : vector<16x8x512xf32> to vector<1x1x512xf32>
    %squeeze3A_384 = vector.shape_cast %slice3A_383 : vector<1x1x512xf32> to vector<512xf32>
    %broadcast_in_dim3A_385 = vector.shape_cast %squeeze3A_384 : vector<512xf32> to vector<1x512xf32>
    %mul3A_386 = vector.broadcast %broadcast_in_dim3A_385 : vector<1x512xf32> to vector<128x512xf32>
    %mul3A_387 = arith.mulf %mul3A_386, %transpose3A_266 : vector<128x512xf32>
    %add3A_388 = arith.addf %add3A_382, %mul3A_387 : vector<128x512xf32>
    %slice3A_389 = vector.extract_strided_slice %div3A_302 {offsets = [15, 0, 0], sizes = [1, 1, 512], strides = [1, 1, 1]} : vector<16x8x512xf32> to vector<1x1x512xf32>
    %squeeze3A_390 = vector.shape_cast %slice3A_389 : vector<1x1x512xf32> to vector<512xf32>
    %broadcast_in_dim3A_391 = vector.shape_cast %squeeze3A_390 : vector<512xf32> to vector<1x512xf32>
    %mul3A_392 = vector.broadcast %broadcast_in_dim3A_391 : vector<1x512xf32> to vector<128x512xf32>
    %mul3A_393 = arith.mulf %mul3A_392, %transpose3A_284 : vector<128x512xf32>
    %add3A_394 = arith.addf %add3A_388, %mul3A_393 : vector<128x512xf32>
    %slice3A_395 = vector.extract_strided_slice %div3A_302 {offsets = [0, 1, 0], sizes = [1, 1, 512], strides = [1, 1, 1]} : vector<16x8x512xf32> to vector<1x1x512xf32>
    %squeeze3A_396 = vector.shape_cast %slice3A_395 : vector<1x1x512xf32> to vector<512xf32>
    %broadcast_in_dim3A_397 = vector.shape_cast %squeeze3A_396 : vector<512xf32> to vector<1x512xf32>
    %mul3A_398 = vector.broadcast %broadcast_in_dim3A_397 : vector<1x512xf32> to vector<128x512xf32>
    %mul3A_399 = arith.mulf %mul3A_398, %transpose3A : vector<128x512xf32>
    %slice3A_400 = vector.extract_strided_slice %div3A_302 {offsets = [1, 1, 0], sizes = [1, 1, 512], strides = [1, 1, 1]} : vector<16x8x512xf32> to vector<1x1x512xf32>
    %squeeze3A_401 = vector.shape_cast %slice3A_400 : vector<1x1x512xf32> to vector<512xf32>
    %broadcast_in_dim3A_402 = vector.shape_cast %squeeze3A_401 : vector<512xf32> to vector<1x512xf32>
    %mul3A_403 = vector.broadcast %broadcast_in_dim3A_402 : vector<1x512xf32> to vector<128x512xf32>
    %mul3A_404 = arith.mulf %mul3A_403, %transpose3A_32 : vector<128x512xf32>
    %add3A_405 = arith.addf %mul3A_399, %mul3A_404 : vector<128x512xf32>
    %slice3A_406 = vector.extract_strided_slice %div3A_302 {offsets = [2, 1, 0], sizes = [1, 1, 512], strides = [1, 1, 1]} : vector<16x8x512xf32> to vector<1x1x512xf32>
    %squeeze3A_407 = vector.shape_cast %slice3A_406 : vector<1x1x512xf32> to vector<512xf32>
    %broadcast_in_dim3A_408 = vector.shape_cast %squeeze3A_407 : vector<512xf32> to vector<1x512xf32>
    %mul3A_409 = vector.broadcast %broadcast_in_dim3A_408 : vector<1x512xf32> to vector<128x512xf32>
    %mul3A_410 = arith.mulf %mul3A_409, %transpose3A_50 : vector<128x512xf32>
    %add3A_411 = arith.addf %add3A_405, %mul3A_410 : vector<128x512xf32>
    %slice3A_412 = vector.extract_strided_slice %div3A_302 {offsets = [3, 1, 0], sizes = [1, 1, 512], strides = [1, 1, 1]} : vector<16x8x512xf32> to vector<1x1x512xf32>
    %squeeze3A_413 = vector.shape_cast %slice3A_412 : vector<1x1x512xf32> to vector<512xf32>
    %broadcast_in_dim3A_414 = vector.shape_cast %squeeze3A_413 : vector<512xf32> to vector<1x512xf32>
    %mul3A_415 = vector.broadcast %broadcast_in_dim3A_414 : vector<1x512xf32> to vector<128x512xf32>
    %mul3A_416 = arith.mulf %mul3A_415, %transpose3A_68 : vector<128x512xf32>
    %add3A_417 = arith.addf %add3A_411, %mul3A_416 : vector<128x512xf32>
    %slice3A_418 = vector.extract_strided_slice %div3A_302 {offsets = [4, 1, 0], sizes = [1, 1, 512], strides = [1, 1, 1]} : vector<16x8x512xf32> to vector<1x1x512xf32>
    %squeeze3A_419 = vector.shape_cast %slice3A_418 : vector<1x1x512xf32> to vector<512xf32>
    %broadcast_in_dim3A_420 = vector.shape_cast %squeeze3A_419 : vector<512xf32> to vector<1x512xf32>
    %mul3A_421 = vector.broadcast %broadcast_in_dim3A_420 : vector<1x512xf32> to vector<128x512xf32>
    %mul3A_422 = arith.mulf %mul3A_421, %transpose3A_86 : vector<128x512xf32>
    %add3A_423 = arith.addf %add3A_417, %mul3A_422 : vector<128x512xf32>
    %slice3A_424 = vector.extract_strided_slice %div3A_302 {offsets = [5, 1, 0], sizes = [1, 1, 512], strides = [1, 1, 1]} : vector<16x8x512xf32> to vector<1x1x512xf32>
    %squeeze3A_425 = vector.shape_cast %slice3A_424 : vector<1x1x512xf32> to vector<512xf32>
    %broadcast_in_dim3A_426 = vector.shape_cast %squeeze3A_425 : vector<512xf32> to vector<1x512xf32>
    %mul3A_427 = vector.broadcast %broadcast_in_dim3A_426 : vector<1x512xf32> to vector<128x512xf32>
    %mul3A_428 = arith.mulf %mul3A_427, %transpose3A_104 : vector<128x512xf32>
    %add3A_429 = arith.addf %add3A_423, %mul3A_428 : vector<128x512xf32>
    %slice3A_430 = vector.extract_strided_slice %div3A_302 {offsets = [6, 1, 0], sizes = [1, 1, 512], strides = [1, 1, 1]} : vector<16x8x512xf32> to vector<1x1x512xf32>
    %squeeze3A_431 = vector.shape_cast %slice3A_430 : vector<1x1x512xf32> to vector<512xf32>
    %broadcast_in_dim3A_432 = vector.shape_cast %squeeze3A_431 : vector<512xf32> to vector<1x512xf32>
    %mul3A_433 = vector.broadcast %broadcast_in_dim3A_432 : vector<1x512xf32> to vector<128x512xf32>
    %mul3A_434 = arith.mulf %mul3A_433, %transpose3A_122 : vector<128x512xf32>
    %add3A_435 = arith.addf %add3A_429, %mul3A_434 : vector<128x512xf32>
    %slice3A_436 = vector.extract_strided_slice %div3A_302 {offsets = [7, 1, 0], sizes = [1, 1, 512], strides = [1, 1, 1]} : vector<16x8x512xf32> to vector<1x1x512xf32>
    %squeeze3A_437 = vector.shape_cast %slice3A_436 : vector<1x1x512xf32> to vector<512xf32>
    %broadcast_in_dim3A_438 = vector.shape_cast %squeeze3A_437 : vector<512xf32> to vector<1x512xf32>
    %mul3A_439 = vector.broadcast %broadcast_in_dim3A_438 : vector<1x512xf32> to vector<128x512xf32>
    %mul3A_440 = arith.mulf %mul3A_439, %transpose3A_140 : vector<128x512xf32>
    %add3A_441 = arith.addf %add3A_435, %mul3A_440 : vector<128x512xf32>
    %slice3A_442 = vector.extract_strided_slice %div3A_302 {offsets = [8, 1, 0], sizes = [1, 1, 512], strides = [1, 1, 1]} : vector<16x8x512xf32> to vector<1x1x512xf32>
    %squeeze3A_443 = vector.shape_cast %slice3A_442 : vector<1x1x512xf32> to vector<512xf32>
    %broadcast_in_dim3A_444 = vector.shape_cast %squeeze3A_443 : vector<512xf32> to vector<1x512xf32>
    %mul3A_445 = vector.broadcast %broadcast_in_dim3A_444 : vector<1x512xf32> to vector<128x512xf32>
    %mul3A_446 = arith.mulf %mul3A_445, %transpose3A_158 : vector<128x512xf32>
    %add3A_447 = arith.addf %add3A_441, %mul3A_446 : vector<128x512xf32>
    %slice3A_448 = vector.extract_strided_slice %div3A_302 {offsets = [9, 1, 0], sizes = [1, 1, 512], strides = [1, 1, 1]} : vector<16x8x512xf32> to vector<1x1x512xf32>
    %squeeze3A_449 = vector.shape_cast %slice3A_448 : vector<1x1x512xf32> to vector<512xf32>
    %broadcast_in_dim3A_450 = vector.shape_cast %squeeze3A_449 : vector<512xf32> to vector<1x512xf32>
    %mul3A_451 = vector.broadcast %broadcast_in_dim3A_450 : vector<1x512xf32> to vector<128x512xf32>
    %mul3A_452 = arith.mulf %mul3A_451, %transpose3A_176 : vector<128x512xf32>
    %add3A_453 = arith.addf %add3A_447, %mul3A_452 : vector<128x512xf32>
    %slice3A_454 = vector.extract_strided_slice %div3A_302 {offsets = [10, 1, 0], sizes = [1, 1, 512], strides = [1, 1, 1]} : vector<16x8x512xf32> to vector<1x1x512xf32>
    %squeeze3A_455 = vector.shape_cast %slice3A_454 : vector<1x1x512xf32> to vector<512xf32>
    %broadcast_in_dim3A_456 = vector.shape_cast %squeeze3A_455 : vector<512xf32> to vector<1x512xf32>
    %mul3A_457 = vector.broadcast %broadcast_in_dim3A_456 : vector<1x512xf32> to vector<128x512xf32>
    %mul3A_458 = arith.mulf %mul3A_457, %transpose3A_194 : vector<128x512xf32>
    %add3A_459 = arith.addf %add3A_453, %mul3A_458 : vector<128x512xf32>
    %slice3A_460 = vector.extract_strided_slice %div3A_302 {offsets = [11, 1, 0], sizes = [1, 1, 512], strides = [1, 1, 1]} : vector<16x8x512xf32> to vector<1x1x512xf32>
    %squeeze3A_461 = vector.shape_cast %slice3A_460 : vector<1x1x512xf32> to vector<512xf32>
    %broadcast_in_dim3A_462 = vector.shape_cast %squeeze3A_461 : vector<512xf32> to vector<1x512xf32>
    %mul3A_463 = vector.broadcast %broadcast_in_dim3A_462 : vector<1x512xf32> to vector<128x512xf32>
    %mul3A_464 = arith.mulf %mul3A_463, %transpose3A_212 : vector<128x512xf32>
    %add3A_465 = arith.addf %add3A_459, %mul3A_464 : vector<128x512xf32>
    %slice3A_466 = vector.extract_strided_slice %div3A_302 {offsets = [12, 1, 0], sizes = [1, 1, 512], strides = [1, 1, 1]} : vector<16x8x512xf32> to vector<1x1x512xf32>
    %squeeze3A_467 = vector.shape_cast %slice3A_466 : vector<1x1x512xf32> to vector<512xf32>
    %broadcast_in_dim3A_468 = vector.shape_cast %squeeze3A_467 : vector<512xf32> to vector<1x512xf32>
    %mul3A_469 = vector.broadcast %broadcast_in_dim3A_468 : vector<1x512xf32> to vector<128x512xf32>
    %mul3A_470 = arith.mulf %mul3A_469, %transpose3A_230 : vector<128x512xf32>
    %add3A_471 = arith.addf %add3A_465, %mul3A_470 : vector<128x512xf32>
    %slice3A_472 = vector.extract_strided_slice %div3A_302 {offsets = [13, 1, 0], sizes = [1, 1, 512], strides = [1, 1, 1]} : vector<16x8x512xf32> to vector<1x1x512xf32>
    %squeeze3A_473 = vector.shape_cast %slice3A_472 : vector<1x1x512xf32> to vector<512xf32>
    %broadcast_in_dim3A_474 = vector.shape_cast %squeeze3A_473 : vector<512xf32> to vector<1x512xf32>
    %mul3A_475 = vector.broadcast %broadcast_in_dim3A_474 : vector<1x512xf32> to vector<128x512xf32>
    %mul3A_476 = arith.mulf %mul3A_475, %transpose3A_248 : vector<128x512xf32>
    %add3A_477 = arith.addf %add3A_471, %mul3A_476 : vector<128x512xf32>
    %slice3A_478 = vector.extract_strided_slice %div3A_302 {offsets = [14, 1, 0], sizes = [1, 1, 512], strides = [1, 1, 1]} : vector<16x8x512xf32> to vector<1x1x512xf32>
    %squeeze3A_479 = vector.shape_cast %slice3A_478 : vector<1x1x512xf32> to vector<512xf32>
    %broadcast_in_dim3A_480 = vector.shape_cast %squeeze3A_479 : vector<512xf32> to vector<1x512xf32>
    %mul3A_481 = vector.broadcast %broadcast_in_dim3A_480 : vector<1x512xf32> to vector<128x512xf32>
    %mul3A_482 = arith.mulf %mul3A_481, %transpose3A_266 : vector<128x512xf32>
    %add3A_483 = arith.addf %add3A_477, %mul3A_482 : vector<128x512xf32>
    %slice3A_484 = vector.extract_strided_slice %div3A_302 {offsets = [15, 1, 0], sizes = [1, 1, 512], strides = [1, 1, 1]} : vector<16x8x512xf32> to vector<1x1x512xf32>
    %squeeze3A_485 = vector.shape_cast %slice3A_484 : vector<1x1x512xf32> to vector<512xf32>
    %broadcast_in_dim3A_486 = vector.shape_cast %squeeze3A_485 : vector<512xf32> to vector<1x512xf32>
    %mul3A_487 = vector.broadcast %broadcast_in_dim3A_486 : vector<1x512xf32> to vector<128x512xf32>
    %mul3A_488 = arith.mulf %mul3A_487, %transpose3A_284 : vector<128x512xf32>
    %add3A_489 = arith.addf %add3A_483, %mul3A_488 : vector<128x512xf32>
    %slice3A_490 = vector.extract_strided_slice %div3A_302 {offsets = [0, 2, 0], sizes = [1, 1, 512], strides = [1, 1, 1]} : vector<16x8x512xf32> to vector<1x1x512xf32>
    %squeeze3A_491 = vector.shape_cast %slice3A_490 : vector<1x1x512xf32> to vector<512xf32>
    %broadcast_in_dim3A_492 = vector.shape_cast %squeeze3A_491 : vector<512xf32> to vector<1x512xf32>
    %mul3A_493 = vector.broadcast %broadcast_in_dim3A_492 : vector<1x512xf32> to vector<128x512xf32>
    %mul3A_494 = arith.mulf %mul3A_493, %transpose3A : vector<128x512xf32>
    %slice3A_495 = vector.extract_strided_slice %div3A_302 {offsets = [1, 2, 0], sizes = [1, 1, 512], strides = [1, 1, 1]} : vector<16x8x512xf32> to vector<1x1x512xf32>
    %squeeze3A_496 = vector.shape_cast %slice3A_495 : vector<1x1x512xf32> to vector<512xf32>
    %broadcast_in_dim3A_497 = vector.shape_cast %squeeze3A_496 : vector<512xf32> to vector<1x512xf32>
    %mul3A_498 = vector.broadcast %broadcast_in_dim3A_497 : vector<1x512xf32> to vector<128x512xf32>
    %mul3A_499 = arith.mulf %mul3A_498, %transpose3A_32 : vector<128x512xf32>
    %add3A_500 = arith.addf %mul3A_494, %mul3A_499 : vector<128x512xf32>
    %slice3A_501 = vector.extract_strided_slice %div3A_302 {offsets = [2, 2, 0], sizes = [1, 1, 512], strides = [1, 1, 1]} : vector<16x8x512xf32> to vector<1x1x512xf32>
    %squeeze3A_502 = vector.shape_cast %slice3A_501 : vector<1x1x512xf32> to vector<512xf32>
    %broadcast_in_dim3A_503 = vector.shape_cast %squeeze3A_502 : vector<512xf32> to vector<1x512xf32>
    %mul3A_504 = vector.broadcast %broadcast_in_dim3A_503 : vector<1x512xf32> to vector<128x512xf32>
    %mul3A_505 = arith.mulf %mul3A_504, %transpose3A_50 : vector<128x512xf32>
    %add3A_506 = arith.addf %add3A_500, %mul3A_505 : vector<128x512xf32>
    %slice3A_507 = vector.extract_strided_slice %div3A_302 {offsets = [3, 2, 0], sizes = [1, 1, 512], strides = [1, 1, 1]} : vector<16x8x512xf32> to vector<1x1x512xf32>
    %squeeze3A_508 = vector.shape_cast %slice3A_507 : vector<1x1x512xf32> to vector<512xf32>
    %broadcast_in_dim3A_509 = vector.shape_cast %squeeze3A_508 : vector<512xf32> to vector<1x512xf32>
    %mul3A_510 = vector.broadcast %broadcast_in_dim3A_509 : vector<1x512xf32> to vector<128x512xf32>
    %mul3A_511 = arith.mulf %mul3A_510, %transpose3A_68 : vector<128x512xf32>
    %add3A_512 = arith.addf %add3A_506, %mul3A_511 : vector<128x512xf32>
    %slice3A_513 = vector.extract_strided_slice %div3A_302 {offsets = [4, 2, 0], sizes = [1, 1, 512], strides = [1, 1, 1]} : vector<16x8x512xf32> to vector<1x1x512xf32>
    %squeeze3A_514 = vector.shape_cast %slice3A_513 : vector<1x1x512xf32> to vector<512xf32>
    %broadcast_in_dim3A_515 = vector.shape_cast %squeeze3A_514 : vector<512xf32> to vector<1x512xf32>
    %mul3A_516 = vector.broadcast %broadcast_in_dim3A_515 : vector<1x512xf32> to vector<128x512xf32>
    %mul3A_517 = arith.mulf %mul3A_516, %transpose3A_86 : vector<128x512xf32>
    %add3A_518 = arith.addf %add3A_512, %mul3A_517 : vector<128x512xf32>
    %slice3A_519 = vector.extract_strided_slice %div3A_302 {offsets = [5, 2, 0], sizes = [1, 1, 512], strides = [1, 1, 1]} : vector<16x8x512xf32> to vector<1x1x512xf32>
    %squeeze3A_520 = vector.shape_cast %slice3A_519 : vector<1x1x512xf32> to vector<512xf32>
    %broadcast_in_dim3A_521 = vector.shape_cast %squeeze3A_520 : vector<512xf32> to vector<1x512xf32>
    %mul3A_522 = vector.broadcast %broadcast_in_dim3A_521 : vector<1x512xf32> to vector<128x512xf32>
    %mul3A_523 = arith.mulf %mul3A_522, %transpose3A_104 : vector<128x512xf32>
    %add3A_524 = arith.addf %add3A_518, %mul3A_523 : vector<128x512xf32>
    %slice3A_525 = vector.extract_strided_slice %div3A_302 {offsets = [6, 2, 0], sizes = [1, 1, 512], strides = [1, 1, 1]} : vector<16x8x512xf32> to vector<1x1x512xf32>
    %squeeze3A_526 = vector.shape_cast %slice3A_525 : vector<1x1x512xf32> to vector<512xf32>
    %broadcast_in_dim3A_527 = vector.shape_cast %squeeze3A_526 : vector<512xf32> to vector<1x512xf32>
    %mul3A_528 = vector.broadcast %broadcast_in_dim3A_527 : vector<1x512xf32> to vector<128x512xf32>
    %mul3A_529 = arith.mulf %mul3A_528, %transpose3A_122 : vector<128x512xf32>
    %add3A_530 = arith.addf %add3A_524, %mul3A_529 : vector<128x512xf32>
    %slice3A_531 = vector.extract_strided_slice %div3A_302 {offsets = [7, 2, 0], sizes = [1, 1, 512], strides = [1, 1, 1]} : vector<16x8x512xf32> to vector<1x1x512xf32>
    %squeeze3A_532 = vector.shape_cast %slice3A_531 : vector<1x1x512xf32> to vector<512xf32>
    %broadcast_in_dim3A_533 = vector.shape_cast %squeeze3A_532 : vector<512xf32> to vector<1x512xf32>
    %mul3A_534 = vector.broadcast %broadcast_in_dim3A_533 : vector<1x512xf32> to vector<128x512xf32>
    %mul3A_535 = arith.mulf %mul3A_534, %transpose3A_140 : vector<128x512xf32>
    %add3A_536 = arith.addf %add3A_530, %mul3A_535 : vector<128x512xf32>
    %slice3A_537 = vector.extract_strided_slice %div3A_302 {offsets = [8, 2, 0], sizes = [1, 1, 512], strides = [1, 1, 1]} : vector<16x8x512xf32> to vector<1x1x512xf32>
    %squeeze3A_538 = vector.shape_cast %slice3A_537 : vector<1x1x512xf32> to vector<512xf32>
    %broadcast_in_dim3A_539 = vector.shape_cast %squeeze3A_538 : vector<512xf32> to vector<1x512xf32>
    %mul3A_540 = vector.broadcast %broadcast_in_dim3A_539 : vector<1x512xf32> to vector<128x512xf32>
    %mul3A_541 = arith.mulf %mul3A_540, %transpose3A_158 : vector<128x512xf32>
    %add3A_542 = arith.addf %add3A_536, %mul3A_541 : vector<128x512xf32>
    %slice3A_543 = vector.extract_strided_slice %div3A_302 {offsets = [9, 2, 0], sizes = [1, 1, 512], strides = [1, 1, 1]} : vector<16x8x512xf32> to vector<1x1x512xf32>
    %squeeze3A_544 = vector.shape_cast %slice3A_543 : vector<1x1x512xf32> to vector<512xf32>
    %broadcast_in_dim3A_545 = vector.shape_cast %squeeze3A_544 : vector<512xf32> to vector<1x512xf32>
    %mul3A_546 = vector.broadcast %broadcast_in_dim3A_545 : vector<1x512xf32> to vector<128x512xf32>
    %mul3A_547 = arith.mulf %mul3A_546, %transpose3A_176 : vector<128x512xf32>
    %add3A_548 = arith.addf %add3A_542, %mul3A_547 : vector<128x512xf32>
    %slice3A_549 = vector.extract_strided_slice %div3A_302 {offsets = [10, 2, 0], sizes = [1, 1, 512], strides = [1, 1, 1]} : vector<16x8x512xf32> to vector<1x1x512xf32>
    %squeeze3A_550 = vector.shape_cast %slice3A_549 : vector<1x1x512xf32> to vector<512xf32>
    %broadcast_in_dim3A_551 = vector.shape_cast %squeeze3A_550 : vector<512xf32> to vector<1x512xf32>
    %mul3A_552 = vector.broadcast %broadcast_in_dim3A_551 : vector<1x512xf32> to vector<128x512xf32>
    %mul3A_553 = arith.mulf %mul3A_552, %transpose3A_194 : vector<128x512xf32>
    %add3A_554 = arith.addf %add3A_548, %mul3A_553 : vector<128x512xf32>
    %slice3A_555 = vector.extract_strided_slice %div3A_302 {offsets = [11, 2, 0], sizes = [1, 1, 512], strides = [1, 1, 1]} : vector<16x8x512xf32> to vector<1x1x512xf32>
    %squeeze3A_556 = vector.shape_cast %slice3A_555 : vector<1x1x512xf32> to vector<512xf32>
    %broadcast_in_dim3A_557 = vector.shape_cast %squeeze3A_556 : vector<512xf32> to vector<1x512xf32>
    %mul3A_558 = vector.broadcast %broadcast_in_dim3A_557 : vector<1x512xf32> to vector<128x512xf32>
    %mul3A_559 = arith.mulf %mul3A_558, %transpose3A_212 : vector<128x512xf32>
    %add3A_560 = arith.addf %add3A_554, %mul3A_559 : vector<128x512xf32>
    %slice3A_561 = vector.extract_strided_slice %div3A_302 {offsets = [12, 2, 0], sizes = [1, 1, 512], strides = [1, 1, 1]} : vector<16x8x512xf32> to vector<1x1x512xf32>
    %squeeze3A_562 = vector.shape_cast %slice3A_561 : vector<1x1x512xf32> to vector<512xf32>
    %broadcast_in_dim3A_563 = vector.shape_cast %squeeze3A_562 : vector<512xf32> to vector<1x512xf32>
    %mul3A_564 = vector.broadcast %broadcast_in_dim3A_563 : vector<1x512xf32> to vector<128x512xf32>
    %mul3A_565 = arith.mulf %mul3A_564, %transpose3A_230 : vector<128x512xf32>
    %add3A_566 = arith.addf %add3A_560, %mul3A_565 : vector<128x512xf32>
    %slice3A_567 = vector.extract_strided_slice %div3A_302 {offsets = [13, 2, 0], sizes = [1, 1, 512], strides = [1, 1, 1]} : vector<16x8x512xf32> to vector<1x1x512xf32>
    %squeeze3A_568 = vector.shape_cast %slice3A_567 : vector<1x1x512xf32> to vector<512xf32>
    %broadcast_in_dim3A_569 = vector.shape_cast %squeeze3A_568 : vector<512xf32> to vector<1x512xf32>
    %mul3A_570 = vector.broadcast %broadcast_in_dim3A_569 : vector<1x512xf32> to vector<128x512xf32>
    %mul3A_571 = arith.mulf %mul3A_570, %transpose3A_248 : vector<128x512xf32>
    %add3A_572 = arith.addf %add3A_566, %mul3A_571 : vector<128x512xf32>
    %slice3A_573 = vector.extract_strided_slice %div3A_302 {offsets = [14, 2, 0], sizes = [1, 1, 512], strides = [1, 1, 1]} : vector<16x8x512xf32> to vector<1x1x512xf32>
    %squeeze3A_574 = vector.shape_cast %slice3A_573 : vector<1x1x512xf32> to vector<512xf32>
    %broadcast_in_dim3A_575 = vector.shape_cast %squeeze3A_574 : vector<512xf32> to vector<1x512xf32>
    %mul3A_576 = vector.broadcast %broadcast_in_dim3A_575 : vector<1x512xf32> to vector<128x512xf32>
    %mul3A_577 = arith.mulf %mul3A_576, %transpose3A_266 : vector<128x512xf32>
    %add3A_578 = arith.addf %add3A_572, %mul3A_577 : vector<128x512xf32>
    %slice3A_579 = vector.extract_strided_slice %div3A_302 {offsets = [15, 2, 0], sizes = [1, 1, 512], strides = [1, 1, 1]} : vector<16x8x512xf32> to vector<1x1x512xf32>
    %squeeze3A_580 = vector.shape_cast %slice3A_579 : vector<1x1x512xf32> to vector<512xf32>
    %broadcast_in_dim3A_581 = vector.shape_cast %squeeze3A_580 : vector<512xf32> to vector<1x512xf32>
    %mul3A_582 = vector.broadcast %broadcast_in_dim3A_581 : vector<1x512xf32> to vector<128x512xf32>
    %mul3A_583 = arith.mulf %mul3A_582, %transpose3A_284 : vector<128x512xf32>
    %add3A_584 = arith.addf %add3A_578, %mul3A_583 : vector<128x512xf32>
    %slice3A_585 = vector.extract_strided_slice %div3A_302 {offsets = [0, 3, 0], sizes = [1, 1, 512], strides = [1, 1, 1]} : vector<16x8x512xf32> to vector<1x1x512xf32>
    %squeeze3A_586 = vector.shape_cast %slice3A_585 : vector<1x1x512xf32> to vector<512xf32>
    %broadcast_in_dim3A_587 = vector.shape_cast %squeeze3A_586 : vector<512xf32> to vector<1x512xf32>
    %mul3A_588 = vector.broadcast %broadcast_in_dim3A_587 : vector<1x512xf32> to vector<128x512xf32>
    %mul3A_589 = arith.mulf %mul3A_588, %transpose3A : vector<128x512xf32>
    %slice3A_590 = vector.extract_strided_slice %div3A_302 {offsets = [1, 3, 0], sizes = [1, 1, 512], strides = [1, 1, 1]} : vector<16x8x512xf32> to vector<1x1x512xf32>
    %squeeze3A_591 = vector.shape_cast %slice3A_590 : vector<1x1x512xf32> to vector<512xf32>
    %broadcast_in_dim3A_592 = vector.shape_cast %squeeze3A_591 : vector<512xf32> to vector<1x512xf32>
    %mul3A_593 = vector.broadcast %broadcast_in_dim3A_592 : vector<1x512xf32> to vector<128x512xf32>
    %mul3A_594 = arith.mulf %mul3A_593, %transpose3A_32 : vector<128x512xf32>
    %add3A_595 = arith.addf %mul3A_589, %mul3A_594 : vector<128x512xf32>
    %slice3A_596 = vector.extract_strided_slice %div3A_302 {offsets = [2, 3, 0], sizes = [1, 1, 512], strides = [1, 1, 1]} : vector<16x8x512xf32> to vector<1x1x512xf32>
    %squeeze3A_597 = vector.shape_cast %slice3A_596 : vector<1x1x512xf32> to vector<512xf32>
    %broadcast_in_dim3A_598 = vector.shape_cast %squeeze3A_597 : vector<512xf32> to vector<1x512xf32>
    %mul3A_599 = vector.broadcast %broadcast_in_dim3A_598 : vector<1x512xf32> to vector<128x512xf32>
    %mul3A_600 = arith.mulf %mul3A_599, %transpose3A_50 : vector<128x512xf32>
    %add3A_601 = arith.addf %add3A_595, %mul3A_600 : vector<128x512xf32>
    %slice3A_602 = vector.extract_strided_slice %div3A_302 {offsets = [3, 3, 0], sizes = [1, 1, 512], strides = [1, 1, 1]} : vector<16x8x512xf32> to vector<1x1x512xf32>
    %squeeze3A_603 = vector.shape_cast %slice3A_602 : vector<1x1x512xf32> to vector<512xf32>
    %broadcast_in_dim3A_604 = vector.shape_cast %squeeze3A_603 : vector<512xf32> to vector<1x512xf32>
    %mul3A_605 = vector.broadcast %broadcast_in_dim3A_604 : vector<1x512xf32> to vector<128x512xf32>
    %mul3A_606 = arith.mulf %mul3A_605, %transpose3A_68 : vector<128x512xf32>
    %add3A_607 = arith.addf %add3A_601, %mul3A_606 : vector<128x512xf32>
    %slice3A_608 = vector.extract_strided_slice %div3A_302 {offsets = [4, 3, 0], sizes = [1, 1, 512], strides = [1, 1, 1]} : vector<16x8x512xf32> to vector<1x1x512xf32>
    %squeeze3A_609 = vector.shape_cast %slice3A_608 : vector<1x1x512xf32> to vector<512xf32>
    %broadcast_in_dim3A_610 = vector.shape_cast %squeeze3A_609 : vector<512xf32> to vector<1x512xf32>
    %mul3A_611 = vector.broadcast %broadcast_in_dim3A_610 : vector<1x512xf32> to vector<128x512xf32>
    %mul3A_612 = arith.mulf %mul3A_611, %transpose3A_86 : vector<128x512xf32>
    %add3A_613 = arith.addf %add3A_607, %mul3A_612 : vector<128x512xf32>
    %slice3A_614 = vector.extract_strided_slice %div3A_302 {offsets = [5, 3, 0], sizes = [1, 1, 512], strides = [1, 1, 1]} : vector<16x8x512xf32> to vector<1x1x512xf32>
    %squeeze3A_615 = vector.shape_cast %slice3A_614 : vector<1x1x512xf32> to vector<512xf32>
    %broadcast_in_dim3A_616 = vector.shape_cast %squeeze3A_615 : vector<512xf32> to vector<1x512xf32>
    %mul3A_617 = vector.broadcast %broadcast_in_dim3A_616 : vector<1x512xf32> to vector<128x512xf32>
    %mul3A_618 = arith.mulf %mul3A_617, %transpose3A_104 : vector<128x512xf32>
    %add3A_619 = arith.addf %add3A_613, %mul3A_618 : vector<128x512xf32>
    %slice3A_620 = vector.extract_strided_slice %div3A_302 {offsets = [6, 3, 0], sizes = [1, 1, 512], strides = [1, 1, 1]} : vector<16x8x512xf32> to vector<1x1x512xf32>
    %squeeze3A_621 = vector.shape_cast %slice3A_620 : vector<1x1x512xf32> to vector<512xf32>
    %broadcast_in_dim3A_622 = vector.shape_cast %squeeze3A_621 : vector<512xf32> to vector<1x512xf32>
    %mul3A_623 = vector.broadcast %broadcast_in_dim3A_622 : vector<1x512xf32> to vector<128x512xf32>
    %mul3A_624 = arith.mulf %mul3A_623, %transpose3A_122 : vector<128x512xf32>
    %add3A_625 = arith.addf %add3A_619, %mul3A_624 : vector<128x512xf32>
    %slice3A_626 = vector.extract_strided_slice %div3A_302 {offsets = [7, 3, 0], sizes = [1, 1, 512], strides = [1, 1, 1]} : vector<16x8x512xf32> to vector<1x1x512xf32>
    %squeeze3A_627 = vector.shape_cast %slice3A_626 : vector<1x1x512xf32> to vector<512xf32>
    %broadcast_in_dim3A_628 = vector.shape_cast %squeeze3A_627 : vector<512xf32> to vector<1x512xf32>
    %mul3A_629 = vector.broadcast %broadcast_in_dim3A_628 : vector<1x512xf32> to vector<128x512xf32>
    %mul3A_630 = arith.mulf %mul3A_629, %transpose3A_140 : vector<128x512xf32>
    %add3A_631 = arith.addf %add3A_625, %mul3A_630 : vector<128x512xf32>
    %slice3A_632 = vector.extract_strided_slice %div3A_302 {offsets = [8, 3, 0], sizes = [1, 1, 512], strides = [1, 1, 1]} : vector<16x8x512xf32> to vector<1x1x512xf32>
    %squeeze3A_633 = vector.shape_cast %slice3A_632 : vector<1x1x512xf32> to vector<512xf32>
    %broadcast_in_dim3A_634 = vector.shape_cast %squeeze3A_633 : vector<512xf32> to vector<1x512xf32>
    %mul3A_635 = vector.broadcast %broadcast_in_dim3A_634 : vector<1x512xf32> to vector<128x512xf32>
    %mul3A_636 = arith.mulf %mul3A_635, %transpose3A_158 : vector<128x512xf32>
    %add3A_637 = arith.addf %add3A_631, %mul3A_636 : vector<128x512xf32>
    %slice3A_638 = vector.extract_strided_slice %div3A_302 {offsets = [9, 3, 0], sizes = [1, 1, 512], strides = [1, 1, 1]} : vector<16x8x512xf32> to vector<1x1x512xf32>
    %squeeze3A_639 = vector.shape_cast %slice3A_638 : vector<1x1x512xf32> to vector<512xf32>
    %broadcast_in_dim3A_640 = vector.shape_cast %squeeze3A_639 : vector<512xf32> to vector<1x512xf32>
    %mul3A_641 = vector.broadcast %broadcast_in_dim3A_640 : vector<1x512xf32> to vector<128x512xf32>
    %mul3A_642 = arith.mulf %mul3A_641, %transpose3A_176 : vector<128x512xf32>
    %add3A_643 = arith.addf %add3A_637, %mul3A_642 : vector<128x512xf32>
    %slice3A_644 = vector.extract_strided_slice %div3A_302 {offsets = [10, 3, 0], sizes = [1, 1, 512], strides = [1, 1, 1]} : vector<16x8x512xf32> to vector<1x1x512xf32>
    %squeeze3A_645 = vector.shape_cast %slice3A_644 : vector<1x1x512xf32> to vector<512xf32>
    %broadcast_in_dim3A_646 = vector.shape_cast %squeeze3A_645 : vector<512xf32> to vector<1x512xf32>
    %mul3A_647 = vector.broadcast %broadcast_in_dim3A_646 : vector<1x512xf32> to vector<128x512xf32>
    %mul3A_648 = arith.mulf %mul3A_647, %transpose3A_194 : vector<128x512xf32>
    %add3A_649 = arith.addf %add3A_643, %mul3A_648 : vector<128x512xf32>
    %slice3A_650 = vector.extract_strided_slice %div3A_302 {offsets = [11, 3, 0], sizes = [1, 1, 512], strides = [1, 1, 1]} : vector<16x8x512xf32> to vector<1x1x512xf32>
    %squeeze3A_651 = vector.shape_cast %slice3A_650 : vector<1x1x512xf32> to vector<512xf32>
    %broadcast_in_dim3A_652 = vector.shape_cast %squeeze3A_651 : vector<512xf32> to vector<1x512xf32>
    %mul3A_653 = vector.broadcast %broadcast_in_dim3A_652 : vector<1x512xf32> to vector<128x512xf32>
    %mul3A_654 = arith.mulf %mul3A_653, %transpose3A_212 : vector<128x512xf32>
    %add3A_655 = arith.addf %add3A_649, %mul3A_654 : vector<128x512xf32>
    %slice3A_656 = vector.extract_strided_slice %div3A_302 {offsets = [12, 3, 0], sizes = [1, 1, 512], strides = [1, 1, 1]} : vector<16x8x512xf32> to vector<1x1x512xf32>
    %squeeze3A_657 = vector.shape_cast %slice3A_656 : vector<1x1x512xf32> to vector<512xf32>
    %broadcast_in_dim3A_658 = vector.shape_cast %squeeze3A_657 : vector<512xf32> to vector<1x512xf32>
    %mul3A_659 = vector.broadcast %broadcast_in_dim3A_658 : vector<1x512xf32> to vector<128x512xf32>
    %mul3A_660 = arith.mulf %mul3A_659, %transpose3A_230 : vector<128x512xf32>
    %add3A_661 = arith.addf %add3A_655, %mul3A_660 : vector<128x512xf32>
    %slice3A_662 = vector.extract_strided_slice %div3A_302 {offsets = [13, 3, 0], sizes = [1, 1, 512], strides = [1, 1, 1]} : vector<16x8x512xf32> to vector<1x1x512xf32>
    %squeeze3A_663 = vector.shape_cast %slice3A_662 : vector<1x1x512xf32> to vector<512xf32>
    %broadcast_in_dim3A_664 = vector.shape_cast %squeeze3A_663 : vector<512xf32> to vector<1x512xf32>
    %mul3A_665 = vector.broadcast %broadcast_in_dim3A_664 : vector<1x512xf32> to vector<128x512xf32>
    %mul3A_666 = arith.mulf %mul3A_665, %transpose3A_248 : vector<128x512xf32>
    %add3A_667 = arith.addf %add3A_661, %mul3A_666 : vector<128x512xf32>
    %slice3A_668 = vector.extract_strided_slice %div3A_302 {offsets = [14, 3, 0], sizes = [1, 1, 512], strides = [1, 1, 1]} : vector<16x8x512xf32> to vector<1x1x512xf32>
    %squeeze3A_669 = vector.shape_cast %slice3A_668 : vector<1x1x512xf32> to vector<512xf32>
    %broadcast_in_dim3A_670 = vector.shape_cast %squeeze3A_669 : vector<512xf32> to vector<1x512xf32>
    %mul3A_671 = vector.broadcast %broadcast_in_dim3A_670 : vector<1x512xf32> to vector<128x512xf32>
    %mul3A_672 = arith.mulf %mul3A_671, %transpose3A_266 : vector<128x512xf32>
    %add3A_673 = arith.addf %add3A_667, %mul3A_672 : vector<128x512xf32>
    %slice3A_674 = vector.extract_strided_slice %div3A_302 {offsets = [15, 3, 0], sizes = [1, 1, 512], strides = [1, 1, 1]} : vector<16x8x512xf32> to vector<1x1x512xf32>
    %squeeze3A_675 = vector.shape_cast %slice3A_674 : vector<1x1x512xf32> to vector<512xf32>
    %broadcast_in_dim3A_676 = vector.shape_cast %squeeze3A_675 : vector<512xf32> to vector<1x512xf32>
    %mul3A_677 = vector.broadcast %broadcast_in_dim3A_676 : vector<1x512xf32> to vector<128x512xf32>
    %mul3A_678 = arith.mulf %mul3A_677, %transpose3A_284 : vector<128x512xf32>
    %add3A_679 = arith.addf %add3A_673, %mul3A_678 : vector<128x512xf32>
    %slice3A_680 = vector.extract_strided_slice %div3A_302 {offsets = [0, 4, 0], sizes = [1, 1, 512], strides = [1, 1, 1]} : vector<16x8x512xf32> to vector<1x1x512xf32>
    %squeeze3A_681 = vector.shape_cast %slice3A_680 : vector<1x1x512xf32> to vector<512xf32>
    %broadcast_in_dim3A_682 = vector.shape_cast %squeeze3A_681 : vector<512xf32> to vector<1x512xf32>
    %mul3A_683 = vector.broadcast %broadcast_in_dim3A_682 : vector<1x512xf32> to vector<128x512xf32>
    %mul3A_684 = arith.mulf %mul3A_683, %transpose3A : vector<128x512xf32>
    %slice3A_685 = vector.extract_strided_slice %div3A_302 {offsets = [1, 4, 0], sizes = [1, 1, 512], strides = [1, 1, 1]} : vector<16x8x512xf32> to vector<1x1x512xf32>
    %squeeze3A_686 = vector.shape_cast %slice3A_685 : vector<1x1x512xf32> to vector<512xf32>
    %broadcast_in_dim3A_687 = vector.shape_cast %squeeze3A_686 : vector<512xf32> to vector<1x512xf32>
    %mul3A_688 = vector.broadcast %broadcast_in_dim3A_687 : vector<1x512xf32> to vector<128x512xf32>
    %mul3A_689 = arith.mulf %mul3A_688, %transpose3A_32 : vector<128x512xf32>
    %add3A_690 = arith.addf %mul3A_684, %mul3A_689 : vector<128x512xf32>
    %slice3A_691 = vector.extract_strided_slice %div3A_302 {offsets = [2, 4, 0], sizes = [1, 1, 512], strides = [1, 1, 1]} : vector<16x8x512xf32> to vector<1x1x512xf32>
    %squeeze3A_692 = vector.shape_cast %slice3A_691 : vector<1x1x512xf32> to vector<512xf32>
    %broadcast_in_dim3A_693 = vector.shape_cast %squeeze3A_692 : vector<512xf32> to vector<1x512xf32>
    %mul3A_694 = vector.broadcast %broadcast_in_dim3A_693 : vector<1x512xf32> to vector<128x512xf32>
    %mul3A_695 = arith.mulf %mul3A_694, %transpose3A_50 : vector<128x512xf32>
    %add3A_696 = arith.addf %add3A_690, %mul3A_695 : vector<128x512xf32>
    %slice3A_697 = vector.extract_strided_slice %div3A_302 {offsets = [3, 4, 0], sizes = [1, 1, 512], strides = [1, 1, 1]} : vector<16x8x512xf32> to vector<1x1x512xf32>
    %squeeze3A_698 = vector.shape_cast %slice3A_697 : vector<1x1x512xf32> to vector<512xf32>
    %broadcast_in_dim3A_699 = vector.shape_cast %squeeze3A_698 : vector<512xf32> to vector<1x512xf32>
    %mul3A_700 = vector.broadcast %broadcast_in_dim3A_699 : vector<1x512xf32> to vector<128x512xf32>
    %mul3A_701 = arith.mulf %mul3A_700, %transpose3A_68 : vector<128x512xf32>
    %add3A_702 = arith.addf %add3A_696, %mul3A_701 : vector<128x512xf32>
    %slice3A_703 = vector.extract_strided_slice %div3A_302 {offsets = [4, 4, 0], sizes = [1, 1, 512], strides = [1, 1, 1]} : vector<16x8x512xf32> to vector<1x1x512xf32>
    %squeeze3A_704 = vector.shape_cast %slice3A_703 : vector<1x1x512xf32> to vector<512xf32>
    %broadcast_in_dim3A_705 = vector.shape_cast %squeeze3A_704 : vector<512xf32> to vector<1x512xf32>
    %mul3A_706 = vector.broadcast %broadcast_in_dim3A_705 : vector<1x512xf32> to vector<128x512xf32>
    %mul3A_707 = arith.mulf %mul3A_706, %transpose3A_86 : vector<128x512xf32>
    %add3A_708 = arith.addf %add3A_702, %mul3A_707 : vector<128x512xf32>
    %slice3A_709 = vector.extract_strided_slice %div3A_302 {offsets = [5, 4, 0], sizes = [1, 1, 512], strides = [1, 1, 1]} : vector<16x8x512xf32> to vector<1x1x512xf32>
    %squeeze3A_710 = vector.shape_cast %slice3A_709 : vector<1x1x512xf32> to vector<512xf32>
    %broadcast_in_dim3A_711 = vector.shape_cast %squeeze3A_710 : vector<512xf32> to vector<1x512xf32>
    %mul3A_712 = vector.broadcast %broadcast_in_dim3A_711 : vector<1x512xf32> to vector<128x512xf32>
    %mul3A_713 = arith.mulf %mul3A_712, %transpose3A_104 : vector<128x512xf32>
    %add3A_714 = arith.addf %add3A_708, %mul3A_713 : vector<128x512xf32>
    %slice3A_715 = vector.extract_strided_slice %div3A_302 {offsets = [6, 4, 0], sizes = [1, 1, 512], strides = [1, 1, 1]} : vector<16x8x512xf32> to vector<1x1x512xf32>
    %squeeze3A_716 = vector.shape_cast %slice3A_715 : vector<1x1x512xf32> to vector<512xf32>
    %broadcast_in_dim3A_717 = vector.shape_cast %squeeze3A_716 : vector<512xf32> to vector<1x512xf32>
    %mul3A_718 = vector.broadcast %broadcast_in_dim3A_717 : vector<1x512xf32> to vector<128x512xf32>
    %mul3A_719 = arith.mulf %mul3A_718, %transpose3A_122 : vector<128x512xf32>
    %add3A_720 = arith.addf %add3A_714, %mul3A_719 : vector<128x512xf32>
    %slice3A_721 = vector.extract_strided_slice %div3A_302 {offsets = [7, 4, 0], sizes = [1, 1, 512], strides = [1, 1, 1]} : vector<16x8x512xf32> to vector<1x1x512xf32>
    %squeeze3A_722 = vector.shape_cast %slice3A_721 : vector<1x1x512xf32> to vector<512xf32>
    %broadcast_in_dim3A_723 = vector.shape_cast %squeeze3A_722 : vector<512xf32> to vector<1x512xf32>
    %mul3A_724 = vector.broadcast %broadcast_in_dim3A_723 : vector<1x512xf32> to vector<128x512xf32>
    %mul3A_725 = arith.mulf %mul3A_724, %transpose3A_140 : vector<128x512xf32>
    %add3A_726 = arith.addf %add3A_720, %mul3A_725 : vector<128x512xf32>
    %slice3A_727 = vector.extract_strided_slice %div3A_302 {offsets = [8, 4, 0], sizes = [1, 1, 512], strides = [1, 1, 1]} : vector<16x8x512xf32> to vector<1x1x512xf32>
    %squeeze3A_728 = vector.shape_cast %slice3A_727 : vector<1x1x512xf32> to vector<512xf32>
    %broadcast_in_dim3A_729 = vector.shape_cast %squeeze3A_728 : vector<512xf32> to vector<1x512xf32>
    %mul3A_730 = vector.broadcast %broadcast_in_dim3A_729 : vector<1x512xf32> to vector<128x512xf32>
    %mul3A_731 = arith.mulf %mul3A_730, %transpose3A_158 : vector<128x512xf32>
    %add3A_732 = arith.addf %add3A_726, %mul3A_731 : vector<128x512xf32>
    %slice3A_733 = vector.extract_strided_slice %div3A_302 {offsets = [9, 4, 0], sizes = [1, 1, 512], strides = [1, 1, 1]} : vector<16x8x512xf32> to vector<1x1x512xf32>
    %squeeze3A_734 = vector.shape_cast %slice3A_733 : vector<1x1x512xf32> to vector<512xf32>
    %broadcast_in_dim3A_735 = vector.shape_cast %squeeze3A_734 : vector<512xf32> to vector<1x512xf32>
    %mul3A_736 = vector.broadcast %broadcast_in_dim3A_735 : vector<1x512xf32> to vector<128x512xf32>
    %mul3A_737 = arith.mulf %mul3A_736, %transpose3A_176 : vector<128x512xf32>
    %add3A_738 = arith.addf %add3A_732, %mul3A_737 : vector<128x512xf32>
    %slice3A_739 = vector.extract_strided_slice %div3A_302 {offsets = [10, 4, 0], sizes = [1, 1, 512], strides = [1, 1, 1]} : vector<16x8x512xf32> to vector<1x1x512xf32>
    %squeeze3A_740 = vector.shape_cast %slice3A_739 : vector<1x1x512xf32> to vector<512xf32>
    %broadcast_in_dim3A_741 = vector.shape_cast %squeeze3A_740 : vector<512xf32> to vector<1x512xf32>
    %mul3A_742 = vector.broadcast %broadcast_in_dim3A_741 : vector<1x512xf32> to vector<128x512xf32>
    %mul3A_743 = arith.mulf %mul3A_742, %transpose3A_194 : vector<128x512xf32>
    %add3A_744 = arith.addf %add3A_738, %mul3A_743 : vector<128x512xf32>
    %slice3A_745 = vector.extract_strided_slice %div3A_302 {offsets = [11, 4, 0], sizes = [1, 1, 512], strides = [1, 1, 1]} : vector<16x8x512xf32> to vector<1x1x512xf32>
    %squeeze3A_746 = vector.shape_cast %slice3A_745 : vector<1x1x512xf32> to vector<512xf32>
    %broadcast_in_dim3A_747 = vector.shape_cast %squeeze3A_746 : vector<512xf32> to vector<1x512xf32>
    %mul3A_748 = vector.broadcast %broadcast_in_dim3A_747 : vector<1x512xf32> to vector<128x512xf32>
    %mul3A_749 = arith.mulf %mul3A_748, %transpose3A_212 : vector<128x512xf32>
    %add3A_750 = arith.addf %add3A_744, %mul3A_749 : vector<128x512xf32>
    %slice3A_751 = vector.extract_strided_slice %div3A_302 {offsets = [12, 4, 0], sizes = [1, 1, 512], strides = [1, 1, 1]} : vector<16x8x512xf32> to vector<1x1x512xf32>
    %squeeze3A_752 = vector.shape_cast %slice3A_751 : vector<1x1x512xf32> to vector<512xf32>
    %broadcast_in_dim3A_753 = vector.shape_cast %squeeze3A_752 : vector<512xf32> to vector<1x512xf32>
    %mul3A_754 = vector.broadcast %broadcast_in_dim3A_753 : vector<1x512xf32> to vector<128x512xf32>
    %mul3A_755 = arith.mulf %mul3A_754, %transpose3A_230 : vector<128x512xf32>
    %add3A_756 = arith.addf %add3A_750, %mul3A_755 : vector<128x512xf32>
    %slice3A_757 = vector.extract_strided_slice %div3A_302 {offsets = [13, 4, 0], sizes = [1, 1, 512], strides = [1, 1, 1]} : vector<16x8x512xf32> to vector<1x1x512xf32>
    %squeeze3A_758 = vector.shape_cast %slice3A_757 : vector<1x1x512xf32> to vector<512xf32>
    %broadcast_in_dim3A_759 = vector.shape_cast %squeeze3A_758 : vector<512xf32> to vector<1x512xf32>
    %mul3A_760 = vector.broadcast %broadcast_in_dim3A_759 : vector<1x512xf32> to vector<128x512xf32>
    %mul3A_761 = arith.mulf %mul3A_760, %transpose3A_248 : vector<128x512xf32>
    %add3A_762 = arith.addf %add3A_756, %mul3A_761 : vector<128x512xf32>
    %slice3A_763 = vector.extract_strided_slice %div3A_302 {offsets = [14, 4, 0], sizes = [1, 1, 512], strides = [1, 1, 1]} : vector<16x8x512xf32> to vector<1x1x512xf32>
    %squeeze3A_764 = vector.shape_cast %slice3A_763 : vector<1x1x512xf32> to vector<512xf32>
    %broadcast_in_dim3A_765 = vector.shape_cast %squeeze3A_764 : vector<512xf32> to vector<1x512xf32>
    %mul3A_766 = vector.broadcast %broadcast_in_dim3A_765 : vector<1x512xf32> to vector<128x512xf32>
    %mul3A_767 = arith.mulf %mul3A_766, %transpose3A_266 : vector<128x512xf32>
    %add3A_768 = arith.addf %add3A_762, %mul3A_767 : vector<128x512xf32>
    %slice3A_769 = vector.extract_strided_slice %div3A_302 {offsets = [15, 4, 0], sizes = [1, 1, 512], strides = [1, 1, 1]} : vector<16x8x512xf32> to vector<1x1x512xf32>
    %squeeze3A_770 = vector.shape_cast %slice3A_769 : vector<1x1x512xf32> to vector<512xf32>
    %broadcast_in_dim3A_771 = vector.shape_cast %squeeze3A_770 : vector<512xf32> to vector<1x512xf32>
    %mul3A_772 = vector.broadcast %broadcast_in_dim3A_771 : vector<1x512xf32> to vector<128x512xf32>
    %mul3A_773 = arith.mulf %mul3A_772, %transpose3A_284 : vector<128x512xf32>
    %add3A_774 = arith.addf %add3A_768, %mul3A_773 : vector<128x512xf32>
    %slice3A_775 = vector.extract_strided_slice %div3A_302 {offsets = [0, 5, 0], sizes = [1, 1, 512], strides = [1, 1, 1]} : vector<16x8x512xf32> to vector<1x1x512xf32>
    %squeeze3A_776 = vector.shape_cast %slice3A_775 : vector<1x1x512xf32> to vector<512xf32>
    %broadcast_in_dim3A_777 = vector.shape_cast %squeeze3A_776 : vector<512xf32> to vector<1x512xf32>
    %mul3A_778 = vector.broadcast %broadcast_in_dim3A_777 : vector<1x512xf32> to vector<128x512xf32>
    %mul3A_779 = arith.mulf %mul3A_778, %transpose3A : vector<128x512xf32>
    %slice3A_780 = vector.extract_strided_slice %div3A_302 {offsets = [1, 5, 0], sizes = [1, 1, 512], strides = [1, 1, 1]} : vector<16x8x512xf32> to vector<1x1x512xf32>
    %squeeze3A_781 = vector.shape_cast %slice3A_780 : vector<1x1x512xf32> to vector<512xf32>
    %broadcast_in_dim3A_782 = vector.shape_cast %squeeze3A_781 : vector<512xf32> to vector<1x512xf32>
    %mul3A_783 = vector.broadcast %broadcast_in_dim3A_782 : vector<1x512xf32> to vector<128x512xf32>
    %mul3A_784 = arith.mulf %mul3A_783, %transpose3A_32 : vector<128x512xf32>
    %add3A_785 = arith.addf %mul3A_779, %mul3A_784 : vector<128x512xf32>
    %slice3A_786 = vector.extract_strided_slice %div3A_302 {offsets = [2, 5, 0], sizes = [1, 1, 512], strides = [1, 1, 1]} : vector<16x8x512xf32> to vector<1x1x512xf32>
    %squeeze3A_787 = vector.shape_cast %slice3A_786 : vector<1x1x512xf32> to vector<512xf32>
    %broadcast_in_dim3A_788 = vector.shape_cast %squeeze3A_787 : vector<512xf32> to vector<1x512xf32>
    %mul3A_789 = vector.broadcast %broadcast_in_dim3A_788 : vector<1x512xf32> to vector<128x512xf32>
    %mul3A_790 = arith.mulf %mul3A_789, %transpose3A_50 : vector<128x512xf32>
    %add3A_791 = arith.addf %add3A_785, %mul3A_790 : vector<128x512xf32>
    %slice3A_792 = vector.extract_strided_slice %div3A_302 {offsets = [3, 5, 0], sizes = [1, 1, 512], strides = [1, 1, 1]} : vector<16x8x512xf32> to vector<1x1x512xf32>
    %squeeze3A_793 = vector.shape_cast %slice3A_792 : vector<1x1x512xf32> to vector<512xf32>
    %broadcast_in_dim3A_794 = vector.shape_cast %squeeze3A_793 : vector<512xf32> to vector<1x512xf32>
    %mul3A_795 = vector.broadcast %broadcast_in_dim3A_794 : vector<1x512xf32> to vector<128x512xf32>
    %mul3A_796 = arith.mulf %mul3A_795, %transpose3A_68 : vector<128x512xf32>
    %add3A_797 = arith.addf %add3A_791, %mul3A_796 : vector<128x512xf32>
    %slice3A_798 = vector.extract_strided_slice %div3A_302 {offsets = [4, 5, 0], sizes = [1, 1, 512], strides = [1, 1, 1]} : vector<16x8x512xf32> to vector<1x1x512xf32>
    %squeeze3A_799 = vector.shape_cast %slice3A_798 : vector<1x1x512xf32> to vector<512xf32>
    %broadcast_in_dim3A_800 = vector.shape_cast %squeeze3A_799 : vector<512xf32> to vector<1x512xf32>
    %mul3A_801 = vector.broadcast %broadcast_in_dim3A_800 : vector<1x512xf32> to vector<128x512xf32>
    %mul3A_802 = arith.mulf %mul3A_801, %transpose3A_86 : vector<128x512xf32>
    %add3A_803 = arith.addf %add3A_797, %mul3A_802 : vector<128x512xf32>
    %slice3A_804 = vector.extract_strided_slice %div3A_302 {offsets = [5, 5, 0], sizes = [1, 1, 512], strides = [1, 1, 1]} : vector<16x8x512xf32> to vector<1x1x512xf32>
    %squeeze3A_805 = vector.shape_cast %slice3A_804 : vector<1x1x512xf32> to vector<512xf32>
    %broadcast_in_dim3A_806 = vector.shape_cast %squeeze3A_805 : vector<512xf32> to vector<1x512xf32>
    %mul3A_807 = vector.broadcast %broadcast_in_dim3A_806 : vector<1x512xf32> to vector<128x512xf32>
    %mul3A_808 = arith.mulf %mul3A_807, %transpose3A_104 : vector<128x512xf32>
    %add3A_809 = arith.addf %add3A_803, %mul3A_808 : vector<128x512xf32>
    %slice3A_810 = vector.extract_strided_slice %div3A_302 {offsets = [6, 5, 0], sizes = [1, 1, 512], strides = [1, 1, 1]} : vector<16x8x512xf32> to vector<1x1x512xf32>
    %squeeze3A_811 = vector.shape_cast %slice3A_810 : vector<1x1x512xf32> to vector<512xf32>
    %broadcast_in_dim3A_812 = vector.shape_cast %squeeze3A_811 : vector<512xf32> to vector<1x512xf32>
    %mul3A_813 = vector.broadcast %broadcast_in_dim3A_812 : vector<1x512xf32> to vector<128x512xf32>
    %mul3A_814 = arith.mulf %mul3A_813, %transpose3A_122 : vector<128x512xf32>
    %add3A_815 = arith.addf %add3A_809, %mul3A_814 : vector<128x512xf32>
    %slice3A_816 = vector.extract_strided_slice %div3A_302 {offsets = [7, 5, 0], sizes = [1, 1, 512], strides = [1, 1, 1]} : vector<16x8x512xf32> to vector<1x1x512xf32>
    %squeeze3A_817 = vector.shape_cast %slice3A_816 : vector<1x1x512xf32> to vector<512xf32>
    %broadcast_in_dim3A_818 = vector.shape_cast %squeeze3A_817 : vector<512xf32> to vector<1x512xf32>
    %mul3A_819 = vector.broadcast %broadcast_in_dim3A_818 : vector<1x512xf32> to vector<128x512xf32>
    %mul3A_820 = arith.mulf %mul3A_819, %transpose3A_140 : vector<128x512xf32>
    %add3A_821 = arith.addf %add3A_815, %mul3A_820 : vector<128x512xf32>
    %slice3A_822 = vector.extract_strided_slice %div3A_302 {offsets = [8, 5, 0], sizes = [1, 1, 512], strides = [1, 1, 1]} : vector<16x8x512xf32> to vector<1x1x512xf32>
    %squeeze3A_823 = vector.shape_cast %slice3A_822 : vector<1x1x512xf32> to vector<512xf32>
    %broadcast_in_dim3A_824 = vector.shape_cast %squeeze3A_823 : vector<512xf32> to vector<1x512xf32>
    %mul3A_825 = vector.broadcast %broadcast_in_dim3A_824 : vector<1x512xf32> to vector<128x512xf32>
    %mul3A_826 = arith.mulf %mul3A_825, %transpose3A_158 : vector<128x512xf32>
    %add3A_827 = arith.addf %add3A_821, %mul3A_826 : vector<128x512xf32>
    %slice3A_828 = vector.extract_strided_slice %div3A_302 {offsets = [9, 5, 0], sizes = [1, 1, 512], strides = [1, 1, 1]} : vector<16x8x512xf32> to vector<1x1x512xf32>
    %squeeze3A_829 = vector.shape_cast %slice3A_828 : vector<1x1x512xf32> to vector<512xf32>
    %broadcast_in_dim3A_830 = vector.shape_cast %squeeze3A_829 : vector<512xf32> to vector<1x512xf32>
    %mul3A_831 = vector.broadcast %broadcast_in_dim3A_830 : vector<1x512xf32> to vector<128x512xf32>
    %mul3A_832 = arith.mulf %mul3A_831, %transpose3A_176 : vector<128x512xf32>
    %add3A_833 = arith.addf %add3A_827, %mul3A_832 : vector<128x512xf32>
    %slice3A_834 = vector.extract_strided_slice %div3A_302 {offsets = [10, 5, 0], sizes = [1, 1, 512], strides = [1, 1, 1]} : vector<16x8x512xf32> to vector<1x1x512xf32>
    %squeeze3A_835 = vector.shape_cast %slice3A_834 : vector<1x1x512xf32> to vector<512xf32>
    %broadcast_in_dim3A_836 = vector.shape_cast %squeeze3A_835 : vector<512xf32> to vector<1x512xf32>
    %mul3A_837 = vector.broadcast %broadcast_in_dim3A_836 : vector<1x512xf32> to vector<128x512xf32>
    %mul3A_838 = arith.mulf %mul3A_837, %transpose3A_194 : vector<128x512xf32>
    %add3A_839 = arith.addf %add3A_833, %mul3A_838 : vector<128x512xf32>
    %slice3A_840 = vector.extract_strided_slice %div3A_302 {offsets = [11, 5, 0], sizes = [1, 1, 512], strides = [1, 1, 1]} : vector<16x8x512xf32> to vector<1x1x512xf32>
    %squeeze3A_841 = vector.shape_cast %slice3A_840 : vector<1x1x512xf32> to vector<512xf32>
    %broadcast_in_dim3A_842 = vector.shape_cast %squeeze3A_841 : vector<512xf32> to vector<1x512xf32>
    %mul3A_843 = vector.broadcast %broadcast_in_dim3A_842 : vector<1x512xf32> to vector<128x512xf32>
    %mul3A_844 = arith.mulf %mul3A_843, %transpose3A_212 : vector<128x512xf32>
    %add3A_845 = arith.addf %add3A_839, %mul3A_844 : vector<128x512xf32>
    %slice3A_846 = vector.extract_strided_slice %div3A_302 {offsets = [12, 5, 0], sizes = [1, 1, 512], strides = [1, 1, 1]} : vector<16x8x512xf32> to vector<1x1x512xf32>
    %squeeze3A_847 = vector.shape_cast %slice3A_846 : vector<1x1x512xf32> to vector<512xf32>
    %broadcast_in_dim3A_848 = vector.shape_cast %squeeze3A_847 : vector<512xf32> to vector<1x512xf32>
    %mul3A_849 = vector.broadcast %broadcast_in_dim3A_848 : vector<1x512xf32> to vector<128x512xf32>
    %mul3A_850 = arith.mulf %mul3A_849, %transpose3A_230 : vector<128x512xf32>
    %add3A_851 = arith.addf %add3A_845, %mul3A_850 : vector<128x512xf32>
    %slice3A_852 = vector.extract_strided_slice %div3A_302 {offsets = [13, 5, 0], sizes = [1, 1, 512], strides = [1, 1, 1]} : vector<16x8x512xf32> to vector<1x1x512xf32>
    %squeeze3A_853 = vector.shape_cast %slice3A_852 : vector<1x1x512xf32> to vector<512xf32>
    %broadcast_in_dim3A_854 = vector.shape_cast %squeeze3A_853 : vector<512xf32> to vector<1x512xf32>
    %mul3A_855 = vector.broadcast %broadcast_in_dim3A_854 : vector<1x512xf32> to vector<128x512xf32>
    %mul3A_856 = arith.mulf %mul3A_855, %transpose3A_248 : vector<128x512xf32>
    %add3A_857 = arith.addf %add3A_851, %mul3A_856 : vector<128x512xf32>
    %slice3A_858 = vector.extract_strided_slice %div3A_302 {offsets = [14, 5, 0], sizes = [1, 1, 512], strides = [1, 1, 1]} : vector<16x8x512xf32> to vector<1x1x512xf32>
    %squeeze3A_859 = vector.shape_cast %slice3A_858 : vector<1x1x512xf32> to vector<512xf32>
    %broadcast_in_dim3A_860 = vector.shape_cast %squeeze3A_859 : vector<512xf32> to vector<1x512xf32>
    %mul3A_861 = vector.broadcast %broadcast_in_dim3A_860 : vector<1x512xf32> to vector<128x512xf32>
    %mul3A_862 = arith.mulf %mul3A_861, %transpose3A_266 : vector<128x512xf32>
    %add3A_863 = arith.addf %add3A_857, %mul3A_862 : vector<128x512xf32>
    %slice3A_864 = vector.extract_strided_slice %div3A_302 {offsets = [15, 5, 0], sizes = [1, 1, 512], strides = [1, 1, 1]} : vector<16x8x512xf32> to vector<1x1x512xf32>
    %squeeze3A_865 = vector.shape_cast %slice3A_864 : vector<1x1x512xf32> to vector<512xf32>
    %broadcast_in_dim3A_866 = vector.shape_cast %squeeze3A_865 : vector<512xf32> to vector<1x512xf32>
    %mul3A_867 = vector.broadcast %broadcast_in_dim3A_866 : vector<1x512xf32> to vector<128x512xf32>
    %mul3A_868 = arith.mulf %mul3A_867, %transpose3A_284 : vector<128x512xf32>
    %add3A_869 = arith.addf %add3A_863, %mul3A_868 : vector<128x512xf32>
    %slice3A_870 = vector.extract_strided_slice %div3A_302 {offsets = [0, 6, 0], sizes = [1, 1, 512], strides = [1, 1, 1]} : vector<16x8x512xf32> to vector<1x1x512xf32>
    %squeeze3A_871 = vector.shape_cast %slice3A_870 : vector<1x1x512xf32> to vector<512xf32>
    %broadcast_in_dim3A_872 = vector.shape_cast %squeeze3A_871 : vector<512xf32> to vector<1x512xf32>
    %mul3A_873 = vector.broadcast %broadcast_in_dim3A_872 : vector<1x512xf32> to vector<128x512xf32>
    %mul3A_874 = arith.mulf %mul3A_873, %transpose3A : vector<128x512xf32>
    %slice3A_875 = vector.extract_strided_slice %div3A_302 {offsets = [1, 6, 0], sizes = [1, 1, 512], strides = [1, 1, 1]} : vector<16x8x512xf32> to vector<1x1x512xf32>
    %squeeze3A_876 = vector.shape_cast %slice3A_875 : vector<1x1x512xf32> to vector<512xf32>
    %broadcast_in_dim3A_877 = vector.shape_cast %squeeze3A_876 : vector<512xf32> to vector<1x512xf32>
    %mul3A_878 = vector.broadcast %broadcast_in_dim3A_877 : vector<1x512xf32> to vector<128x512xf32>
    %mul3A_879 = arith.mulf %mul3A_878, %transpose3A_32 : vector<128x512xf32>
    %add3A_880 = arith.addf %mul3A_874, %mul3A_879 : vector<128x512xf32>
    %slice3A_881 = vector.extract_strided_slice %div3A_302 {offsets = [2, 6, 0], sizes = [1, 1, 512], strides = [1, 1, 1]} : vector<16x8x512xf32> to vector<1x1x512xf32>
    %squeeze3A_882 = vector.shape_cast %slice3A_881 : vector<1x1x512xf32> to vector<512xf32>
    %broadcast_in_dim3A_883 = vector.shape_cast %squeeze3A_882 : vector<512xf32> to vector<1x512xf32>
    %mul3A_884 = vector.broadcast %broadcast_in_dim3A_883 : vector<1x512xf32> to vector<128x512xf32>
    %mul3A_885 = arith.mulf %mul3A_884, %transpose3A_50 : vector<128x512xf32>
    %add3A_886 = arith.addf %add3A_880, %mul3A_885 : vector<128x512xf32>
    %slice3A_887 = vector.extract_strided_slice %div3A_302 {offsets = [3, 6, 0], sizes = [1, 1, 512], strides = [1, 1, 1]} : vector<16x8x512xf32> to vector<1x1x512xf32>
    %squeeze3A_888 = vector.shape_cast %slice3A_887 : vector<1x1x512xf32> to vector<512xf32>
    %broadcast_in_dim3A_889 = vector.shape_cast %squeeze3A_888 : vector<512xf32> to vector<1x512xf32>
    %mul3A_890 = vector.broadcast %broadcast_in_dim3A_889 : vector<1x512xf32> to vector<128x512xf32>
    %mul3A_891 = arith.mulf %mul3A_890, %transpose3A_68 : vector<128x512xf32>
    %add3A_892 = arith.addf %add3A_886, %mul3A_891 : vector<128x512xf32>
    %slice3A_893 = vector.extract_strided_slice %div3A_302 {offsets = [4, 6, 0], sizes = [1, 1, 512], strides = [1, 1, 1]} : vector<16x8x512xf32> to vector<1x1x512xf32>
    %squeeze3A_894 = vector.shape_cast %slice3A_893 : vector<1x1x512xf32> to vector<512xf32>
    %broadcast_in_dim3A_895 = vector.shape_cast %squeeze3A_894 : vector<512xf32> to vector<1x512xf32>
    %mul3A_896 = vector.broadcast %broadcast_in_dim3A_895 : vector<1x512xf32> to vector<128x512xf32>
    %mul3A_897 = arith.mulf %mul3A_896, %transpose3A_86 : vector<128x512xf32>
    %add3A_898 = arith.addf %add3A_892, %mul3A_897 : vector<128x512xf32>
    %slice3A_899 = vector.extract_strided_slice %div3A_302 {offsets = [5, 6, 0], sizes = [1, 1, 512], strides = [1, 1, 1]} : vector<16x8x512xf32> to vector<1x1x512xf32>
    %squeeze3A_900 = vector.shape_cast %slice3A_899 : vector<1x1x512xf32> to vector<512xf32>
    %broadcast_in_dim3A_901 = vector.shape_cast %squeeze3A_900 : vector<512xf32> to vector<1x512xf32>
    %mul3A_902 = vector.broadcast %broadcast_in_dim3A_901 : vector<1x512xf32> to vector<128x512xf32>
    %mul3A_903 = arith.mulf %mul3A_902, %transpose3A_104 : vector<128x512xf32>
    %add3A_904 = arith.addf %add3A_898, %mul3A_903 : vector<128x512xf32>
    %slice3A_905 = vector.extract_strided_slice %div3A_302 {offsets = [6, 6, 0], sizes = [1, 1, 512], strides = [1, 1, 1]} : vector<16x8x512xf32> to vector<1x1x512xf32>
    %squeeze3A_906 = vector.shape_cast %slice3A_905 : vector<1x1x512xf32> to vector<512xf32>
    %broadcast_in_dim3A_907 = vector.shape_cast %squeeze3A_906 : vector<512xf32> to vector<1x512xf32>
    %mul3A_908 = vector.broadcast %broadcast_in_dim3A_907 : vector<1x512xf32> to vector<128x512xf32>
    %mul3A_909 = arith.mulf %mul3A_908, %transpose3A_122 : vector<128x512xf32>
    %add3A_910 = arith.addf %add3A_904, %mul3A_909 : vector<128x512xf32>
    %slice3A_911 = vector.extract_strided_slice %div3A_302 {offsets = [7, 6, 0], sizes = [1, 1, 512], strides = [1, 1, 1]} : vector<16x8x512xf32> to vector<1x1x512xf32>
    %squeeze3A_912 = vector.shape_cast %slice3A_911 : vector<1x1x512xf32> to vector<512xf32>
    %broadcast_in_dim3A_913 = vector.shape_cast %squeeze3A_912 : vector<512xf32> to vector<1x512xf32>
    %mul3A_914 = vector.broadcast %broadcast_in_dim3A_913 : vector<1x512xf32> to vector<128x512xf32>
    %mul3A_915 = arith.mulf %mul3A_914, %transpose3A_140 : vector<128x512xf32>
    %add3A_916 = arith.addf %add3A_910, %mul3A_915 : vector<128x512xf32>
    %slice3A_917 = vector.extract_strided_slice %div3A_302 {offsets = [8, 6, 0], sizes = [1, 1, 512], strides = [1, 1, 1]} : vector<16x8x512xf32> to vector<1x1x512xf32>
    %squeeze3A_918 = vector.shape_cast %slice3A_917 : vector<1x1x512xf32> to vector<512xf32>
    %broadcast_in_dim3A_919 = vector.shape_cast %squeeze3A_918 : vector<512xf32> to vector<1x512xf32>
    %mul3A_920 = vector.broadcast %broadcast_in_dim3A_919 : vector<1x512xf32> to vector<128x512xf32>
    %mul3A_921 = arith.mulf %mul3A_920, %transpose3A_158 : vector<128x512xf32>
    %add3A_922 = arith.addf %add3A_916, %mul3A_921 : vector<128x512xf32>
    %slice3A_923 = vector.extract_strided_slice %div3A_302 {offsets = [9, 6, 0], sizes = [1, 1, 512], strides = [1, 1, 1]} : vector<16x8x512xf32> to vector<1x1x512xf32>
    %squeeze3A_924 = vector.shape_cast %slice3A_923 : vector<1x1x512xf32> to vector<512xf32>
    %broadcast_in_dim3A_925 = vector.shape_cast %squeeze3A_924 : vector<512xf32> to vector<1x512xf32>
    %mul3A_926 = vector.broadcast %broadcast_in_dim3A_925 : vector<1x512xf32> to vector<128x512xf32>
    %mul3A_927 = arith.mulf %mul3A_926, %transpose3A_176 : vector<128x512xf32>
    %add3A_928 = arith.addf %add3A_922, %mul3A_927 : vector<128x512xf32>
    %slice3A_929 = vector.extract_strided_slice %div3A_302 {offsets = [10, 6, 0], sizes = [1, 1, 512], strides = [1, 1, 1]} : vector<16x8x512xf32> to vector<1x1x512xf32>
    %squeeze3A_930 = vector.shape_cast %slice3A_929 : vector<1x1x512xf32> to vector<512xf32>
    %broadcast_in_dim3A_931 = vector.shape_cast %squeeze3A_930 : vector<512xf32> to vector<1x512xf32>
    %mul3A_932 = vector.broadcast %broadcast_in_dim3A_931 : vector<1x512xf32> to vector<128x512xf32>
    %mul3A_933 = arith.mulf %mul3A_932, %transpose3A_194 : vector<128x512xf32>
    %add3A_934 = arith.addf %add3A_928, %mul3A_933 : vector<128x512xf32>
    %slice3A_935 = vector.extract_strided_slice %div3A_302 {offsets = [11, 6, 0], sizes = [1, 1, 512], strides = [1, 1, 1]} : vector<16x8x512xf32> to vector<1x1x512xf32>
    %squeeze3A_936 = vector.shape_cast %slice3A_935 : vector<1x1x512xf32> to vector<512xf32>
    %broadcast_in_dim3A_937 = vector.shape_cast %squeeze3A_936 : vector<512xf32> to vector<1x512xf32>
    %mul3A_938 = vector.broadcast %broadcast_in_dim3A_937 : vector<1x512xf32> to vector<128x512xf32>
    %mul3A_939 = arith.mulf %mul3A_938, %transpose3A_212 : vector<128x512xf32>
    %add3A_940 = arith.addf %add3A_934, %mul3A_939 : vector<128x512xf32>
    %slice3A_941 = vector.extract_strided_slice %div3A_302 {offsets = [12, 6, 0], sizes = [1, 1, 512], strides = [1, 1, 1]} : vector<16x8x512xf32> to vector<1x1x512xf32>
    %squeeze3A_942 = vector.shape_cast %slice3A_941 : vector<1x1x512xf32> to vector<512xf32>
    %broadcast_in_dim3A_943 = vector.shape_cast %squeeze3A_942 : vector<512xf32> to vector<1x512xf32>
    %mul3A_944 = vector.broadcast %broadcast_in_dim3A_943 : vector<1x512xf32> to vector<128x512xf32>
    %mul3A_945 = arith.mulf %mul3A_944, %transpose3A_230 : vector<128x512xf32>
    %add3A_946 = arith.addf %add3A_940, %mul3A_945 : vector<128x512xf32>
    %slice3A_947 = vector.extract_strided_slice %div3A_302 {offsets = [13, 6, 0], sizes = [1, 1, 512], strides = [1, 1, 1]} : vector<16x8x512xf32> to vector<1x1x512xf32>
    %squeeze3A_948 = vector.shape_cast %slice3A_947 : vector<1x1x512xf32> to vector<512xf32>
    %broadcast_in_dim3A_949 = vector.shape_cast %squeeze3A_948 : vector<512xf32> to vector<1x512xf32>
    %mul3A_950 = vector.broadcast %broadcast_in_dim3A_949 : vector<1x512xf32> to vector<128x512xf32>
    %mul3A_951 = arith.mulf %mul3A_950, %transpose3A_248 : vector<128x512xf32>
    %add3A_952 = arith.addf %add3A_946, %mul3A_951 : vector<128x512xf32>
    %slice3A_953 = vector.extract_strided_slice %div3A_302 {offsets = [14, 6, 0], sizes = [1, 1, 512], strides = [1, 1, 1]} : vector<16x8x512xf32> to vector<1x1x512xf32>
    %squeeze3A_954 = vector.shape_cast %slice3A_953 : vector<1x1x512xf32> to vector<512xf32>
    %broadcast_in_dim3A_955 = vector.shape_cast %squeeze3A_954 : vector<512xf32> to vector<1x512xf32>
    %mul3A_956 = vector.broadcast %broadcast_in_dim3A_955 : vector<1x512xf32> to vector<128x512xf32>
    %mul3A_957 = arith.mulf %mul3A_956, %transpose3A_266 : vector<128x512xf32>
    %add3A_958 = arith.addf %add3A_952, %mul3A_957 : vector<128x512xf32>
    %slice3A_959 = vector.extract_strided_slice %div3A_302 {offsets = [15, 6, 0], sizes = [1, 1, 512], strides = [1, 1, 1]} : vector<16x8x512xf32> to vector<1x1x512xf32>
    %squeeze3A_960 = vector.shape_cast %slice3A_959 : vector<1x1x512xf32> to vector<512xf32>
    %broadcast_in_dim3A_961 = vector.shape_cast %squeeze3A_960 : vector<512xf32> to vector<1x512xf32>
    %mul3A_962 = vector.broadcast %broadcast_in_dim3A_961 : vector<1x512xf32> to vector<128x512xf32>
    %mul3A_963 = arith.mulf %mul3A_962, %transpose3A_284 : vector<128x512xf32>
    %add3A_964 = arith.addf %add3A_958, %mul3A_963 : vector<128x512xf32>
    %slice3A_965 = vector.extract_strided_slice %div3A_302 {offsets = [0, 7, 0], sizes = [1, 1, 512], strides = [1, 1, 1]} : vector<16x8x512xf32> to vector<1x1x512xf32>
    %squeeze3A_966 = vector.shape_cast %slice3A_965 : vector<1x1x512xf32> to vector<512xf32>
    %broadcast_in_dim3A_967 = vector.shape_cast %squeeze3A_966 : vector<512xf32> to vector<1x512xf32>
    %mul3A_968 = vector.broadcast %broadcast_in_dim3A_967 : vector<1x512xf32> to vector<128x512xf32>
    %mul3A_969 = arith.mulf %mul3A_968, %transpose3A : vector<128x512xf32>
    %slice3A_970 = vector.extract_strided_slice %div3A_302 {offsets = [1, 7, 0], sizes = [1, 1, 512], strides = [1, 1, 1]} : vector<16x8x512xf32> to vector<1x1x512xf32>
    %squeeze3A_971 = vector.shape_cast %slice3A_970 : vector<1x1x512xf32> to vector<512xf32>
    %broadcast_in_dim3A_972 = vector.shape_cast %squeeze3A_971 : vector<512xf32> to vector<1x512xf32>
    %mul3A_973 = vector.broadcast %broadcast_in_dim3A_972 : vector<1x512xf32> to vector<128x512xf32>
    %mul3A_974 = arith.mulf %mul3A_973, %transpose3A_32 : vector<128x512xf32>
    %add3A_975 = arith.addf %mul3A_969, %mul3A_974 : vector<128x512xf32>
    %slice3A_976 = vector.extract_strided_slice %div3A_302 {offsets = [2, 7, 0], sizes = [1, 1, 512], strides = [1, 1, 1]} : vector<16x8x512xf32> to vector<1x1x512xf32>
    %squeeze3A_977 = vector.shape_cast %slice3A_976 : vector<1x1x512xf32> to vector<512xf32>
    %broadcast_in_dim3A_978 = vector.shape_cast %squeeze3A_977 : vector<512xf32> to vector<1x512xf32>
    %mul3A_979 = vector.broadcast %broadcast_in_dim3A_978 : vector<1x512xf32> to vector<128x512xf32>
    %mul3A_980 = arith.mulf %mul3A_979, %transpose3A_50 : vector<128x512xf32>
    %add3A_981 = arith.addf %add3A_975, %mul3A_980 : vector<128x512xf32>
    %slice3A_982 = vector.extract_strided_slice %div3A_302 {offsets = [3, 7, 0], sizes = [1, 1, 512], strides = [1, 1, 1]} : vector<16x8x512xf32> to vector<1x1x512xf32>
    %squeeze3A_983 = vector.shape_cast %slice3A_982 : vector<1x1x512xf32> to vector<512xf32>
    %broadcast_in_dim3A_984 = vector.shape_cast %squeeze3A_983 : vector<512xf32> to vector<1x512xf32>
    %mul3A_985 = vector.broadcast %broadcast_in_dim3A_984 : vector<1x512xf32> to vector<128x512xf32>
    %mul3A_986 = arith.mulf %mul3A_985, %transpose3A_68 : vector<128x512xf32>
    %add3A_987 = arith.addf %add3A_981, %mul3A_986 : vector<128x512xf32>
    %slice3A_988 = vector.extract_strided_slice %div3A_302 {offsets = [4, 7, 0], sizes = [1, 1, 512], strides = [1, 1, 1]} : vector<16x8x512xf32> to vector<1x1x512xf32>
    %squeeze3A_989 = vector.shape_cast %slice3A_988 : vector<1x1x512xf32> to vector<512xf32>
    %broadcast_in_dim3A_990 = vector.shape_cast %squeeze3A_989 : vector<512xf32> to vector<1x512xf32>
    %mul3A_991 = vector.broadcast %broadcast_in_dim3A_990 : vector<1x512xf32> to vector<128x512xf32>
    %mul3A_992 = arith.mulf %mul3A_991, %transpose3A_86 : vector<128x512xf32>
    %add3A_993 = arith.addf %add3A_987, %mul3A_992 : vector<128x512xf32>
    %slice3A_994 = vector.extract_strided_slice %div3A_302 {offsets = [5, 7, 0], sizes = [1, 1, 512], strides = [1, 1, 1]} : vector<16x8x512xf32> to vector<1x1x512xf32>
    %squeeze3A_995 = vector.shape_cast %slice3A_994 : vector<1x1x512xf32> to vector<512xf32>
    %broadcast_in_dim3A_996 = vector.shape_cast %squeeze3A_995 : vector<512xf32> to vector<1x512xf32>
    %mul3A_997 = vector.broadcast %broadcast_in_dim3A_996 : vector<1x512xf32> to vector<128x512xf32>
    %mul3A_998 = arith.mulf %mul3A_997, %transpose3A_104 : vector<128x512xf32>
    %add3A_999 = arith.addf %add3A_993, %mul3A_998 : vector<128x512xf32>
    %slice3A_1000 = vector.extract_strided_slice %div3A_302 {offsets = [6, 7, 0], sizes = [1, 1, 512], strides = [1, 1, 1]} : vector<16x8x512xf32> to vector<1x1x512xf32>
    %squeeze3A_1001 = vector.shape_cast %slice3A_1000 : vector<1x1x512xf32> to vector<512xf32>
    %broadcast_in_dim3A_1002 = vector.shape_cast %squeeze3A_1001 : vector<512xf32> to vector<1x512xf32>
    %mul3A_1003 = vector.broadcast %broadcast_in_dim3A_1002 : vector<1x512xf32> to vector<128x512xf32>
    %mul3A_1004 = arith.mulf %mul3A_1003, %transpose3A_122 : vector<128x512xf32>
    %add3A_1005 = arith.addf %add3A_999, %mul3A_1004 : vector<128x512xf32>
    %slice3A_1006 = vector.extract_strided_slice %div3A_302 {offsets = [7, 7, 0], sizes = [1, 1, 512], strides = [1, 1, 1]} : vector<16x8x512xf32> to vector<1x1x512xf32>
    %squeeze3A_1007 = vector.shape_cast %slice3A_1006 : vector<1x1x512xf32> to vector<512xf32>
    %broadcast_in_dim3A_1008 = vector.shape_cast %squeeze3A_1007 : vector<512xf32> to vector<1x512xf32>
    %mul3A_1009 = vector.broadcast %broadcast_in_dim3A_1008 : vector<1x512xf32> to vector<128x512xf32>
    %mul3A_1010 = arith.mulf %mul3A_1009, %transpose3A_140 : vector<128x512xf32>
    %add3A_1011 = arith.addf %add3A_1005, %mul3A_1010 : vector<128x512xf32>
    %slice3A_1012 = vector.extract_strided_slice %div3A_302 {offsets = [8, 7, 0], sizes = [1, 1, 512], strides = [1, 1, 1]} : vector<16x8x512xf32> to vector<1x1x512xf32>
    %squeeze3A_1013 = vector.shape_cast %slice3A_1012 : vector<1x1x512xf32> to vector<512xf32>
    %broadcast_in_dim3A_1014 = vector.shape_cast %squeeze3A_1013 : vector<512xf32> to vector<1x512xf32>
    %mul3A_1015 = vector.broadcast %broadcast_in_dim3A_1014 : vector<1x512xf32> to vector<128x512xf32>
    %mul3A_1016 = arith.mulf %mul3A_1015, %transpose3A_158 : vector<128x512xf32>
    %add3A_1017 = arith.addf %add3A_1011, %mul3A_1016 : vector<128x512xf32>
    %slice3A_1018 = vector.extract_strided_slice %div3A_302 {offsets = [9, 7, 0], sizes = [1, 1, 512], strides = [1, 1, 1]} : vector<16x8x512xf32> to vector<1x1x512xf32>
    %squeeze3A_1019 = vector.shape_cast %slice3A_1018 : vector<1x1x512xf32> to vector<512xf32>
    %broadcast_in_dim3A_1020 = vector.shape_cast %squeeze3A_1019 : vector<512xf32> to vector<1x512xf32>
    %mul3A_1021 = vector.broadcast %broadcast_in_dim3A_1020 : vector<1x512xf32> to vector<128x512xf32>
    %mul3A_1022 = arith.mulf %mul3A_1021, %transpose3A_176 : vector<128x512xf32>
    %add3A_1023 = arith.addf %add3A_1017, %mul3A_1022 : vector<128x512xf32>
    %slice3A_1024 = vector.extract_strided_slice %div3A_302 {offsets = [10, 7, 0], sizes = [1, 1, 512], strides = [1, 1, 1]} : vector<16x8x512xf32> to vector<1x1x512xf32>
    %squeeze3A_1025 = vector.shape_cast %slice3A_1024 : vector<1x1x512xf32> to vector<512xf32>
    %broadcast_in_dim3A_1026 = vector.shape_cast %squeeze3A_1025 : vector<512xf32> to vector<1x512xf32>
    %mul3A_1027 = vector.broadcast %broadcast_in_dim3A_1026 : vector<1x512xf32> to vector<128x512xf32>
    %mul3A_1028 = arith.mulf %mul3A_1027, %transpose3A_194 : vector<128x512xf32>
    %add3A_1029 = arith.addf %add3A_1023, %mul3A_1028 : vector<128x512xf32>
    %slice3A_1030 = vector.extract_strided_slice %div3A_302 {offsets = [11, 7, 0], sizes = [1, 1, 512], strides = [1, 1, 1]} : vector<16x8x512xf32> to vector<1x1x512xf32>
    %squeeze3A_1031 = vector.shape_cast %slice3A_1030 : vector<1x1x512xf32> to vector<512xf32>
    %broadcast_in_dim3A_1032 = vector.shape_cast %squeeze3A_1031 : vector<512xf32> to vector<1x512xf32>
    %mul3A_1033 = vector.broadcast %broadcast_in_dim3A_1032 : vector<1x512xf32> to vector<128x512xf32>
    %mul3A_1034 = arith.mulf %mul3A_1033, %transpose3A_212 : vector<128x512xf32>
    %add3A_1035 = arith.addf %add3A_1029, %mul3A_1034 : vector<128x512xf32>
    %slice3A_1036 = vector.extract_strided_slice %div3A_302 {offsets = [12, 7, 0], sizes = [1, 1, 512], strides = [1, 1, 1]} : vector<16x8x512xf32> to vector<1x1x512xf32>
    %squeeze3A_1037 = vector.shape_cast %slice3A_1036 : vector<1x1x512xf32> to vector<512xf32>
    %broadcast_in_dim3A_1038 = vector.shape_cast %squeeze3A_1037 : vector<512xf32> to vector<1x512xf32>
    %mul3A_1039 = vector.broadcast %broadcast_in_dim3A_1038 : vector<1x512xf32> to vector<128x512xf32>
    %mul3A_1040 = arith.mulf %mul3A_1039, %transpose3A_230 : vector<128x512xf32>
    %add3A_1041 = arith.addf %add3A_1035, %mul3A_1040 : vector<128x512xf32>
    %slice3A_1042 = vector.extract_strided_slice %div3A_302 {offsets = [13, 7, 0], sizes = [1, 1, 512], strides = [1, 1, 1]} : vector<16x8x512xf32> to vector<1x1x512xf32>
    %squeeze3A_1043 = vector.shape_cast %slice3A_1042 : vector<1x1x512xf32> to vector<512xf32>
    %broadcast_in_dim3A_1044 = vector.shape_cast %squeeze3A_1043 : vector<512xf32> to vector<1x512xf32>
    %mul3A_1045 = vector.broadcast %broadcast_in_dim3A_1044 : vector<1x512xf32> to vector<128x512xf32>
    %mul3A_1046 = arith.mulf %mul3A_1045, %transpose3A_248 : vector<128x512xf32>
    %add3A_1047 = arith.addf %add3A_1041, %mul3A_1046 : vector<128x512xf32>
    %slice3A_1048 = vector.extract_strided_slice %div3A_302 {offsets = [14, 7, 0], sizes = [1, 1, 512], strides = [1, 1, 1]} : vector<16x8x512xf32> to vector<1x1x512xf32>
    %squeeze3A_1049 = vector.shape_cast %slice3A_1048 : vector<1x1x512xf32> to vector<512xf32>
    %broadcast_in_dim3A_1050 = vector.shape_cast %squeeze3A_1049 : vector<512xf32> to vector<1x512xf32>
    %mul3A_1051 = vector.broadcast %broadcast_in_dim3A_1050 : vector<1x512xf32> to vector<128x512xf32>
    %mul3A_1052 = arith.mulf %mul3A_1051, %transpose3A_266 : vector<128x512xf32>
    %add3A_1053 = arith.addf %add3A_1047, %mul3A_1052 : vector<128x512xf32>
    %slice3A_1054 = vector.extract_strided_slice %div3A_302 {offsets = [15, 7, 0], sizes = [1, 1, 512], strides = [1, 1, 1]} : vector<16x8x512xf32> to vector<1x1x512xf32>
    %squeeze3A_1055 = vector.shape_cast %slice3A_1054 : vector<1x1x512xf32> to vector<512xf32>
    %broadcast_in_dim3A_1056 = vector.shape_cast %squeeze3A_1055 : vector<512xf32> to vector<1x512xf32>
    %mul3A_1057 = vector.broadcast %broadcast_in_dim3A_1056 : vector<1x512xf32> to vector<128x512xf32>
    %mul3A_1058 = arith.mulf %mul3A_1057, %transpose3A_284 : vector<128x512xf32>
    %add3A_1059 = arith.addf %add3A_1053, %mul3A_1058 : vector<128x512xf32>
    %concatenate3A_1060 = tpu.concatenate %add3A_394, %add3A_489, %add3A_584, %add3A_679, %add3A_774, %add3A_869, %add3A_964, %add3A_1059 in 0 : vector<128x512xf32>, vector<128x512xf32>, vector<128x512xf32>, vector<128x512xf32>, vector<128x512xf32>, vector<128x512xf32>, vector<128x512xf32>, vector<128x512xf32> -> vector<1024x512xf32>
    %mul3A_1061 = arith.constant 6.250000e-02 : f32
    %mul3A_1062 = vector.broadcast %mul3A_1061 : f32 to vector<1024x512xf32>
    %mul3A_1063 = arith.mulf %concatenate3A_1060, %mul3A_1062 : vector<1024x512xf32>
    %get3A_1064 = arith.constant 0 : index
    %get3A_1065 = arith.constant 0 : index
    %get3A_1066 = arith.constant 0 : index
    %get3A_1067 = vector.load %arg7[%get3A_1064, %get3A_1065, %get3A_1066] : memref<2x128x1024xf32, #tpu.memory_space<vmem>>, vector<1x128x1024xf32>
    %get3A_1068 = vector.shape_cast %get3A_1067 : vector<1x128x1024xf32> to vector<128x1024xf32>
    %dot_general3A_1069 = arith.constant dense<0.000000e+00> : vector<128x512xf32>
    %dot_general3A_1070 = tpu.matmul %get3A_1068, %mul3A_1063, %dot_general3A_1069 {dimension_numbers = #tpu.dot_dimension_numbers<[1], [0], [0], [1], [0, 0, 1, 1], [], []>, transpose_lhs_hint = false} : vector<128x1024xf32>, vector<1024x512xf32>, vector<128x512xf32> -> vector<128x512xf32>
    %get3A_1071 = arith.constant 0 : index
    %get3A_1072 = arith.constant 0 : index
    %get3A_1073 = arith.constant 0 : index
    %get3A_1074 = vector.load %arg8[%get3A_1071, %get3A_1072, %get3A_1073] : memref<2x128x1xf32, #tpu.memory_space<vmem>>, vector<1x128x1xf32>
    %get3A_1075 = vector.shape_cast %get3A_1074 : vector<1x128x1xf32> to vector<128x1xf32>
    %add3A_1076 = vector.broadcast %get3A_1075 : vector<128x1xf32> to vector<128x512xf32>
    %add3A_1077 = arith.addf %dot_general3A_1070, %add3A_1076 : vector<128x512xf32>
    %add3A_1078 = arith.addf %get3A_1, %add3A_1077 : vector<128x512xf32>
    %max3A_1079 = arith.constant 0.000000e+00 : f32
    %max3A_1080 = vector.broadcast %max3A_1079 : f32 to vector<128x512xf32>
    %max3A_1081 = arith.maximumf %add3A_1078, %max3A_1080 : vector<128x512xf32>
    %get3A_1082 = arith.constant 0 : index
    %get3A_1083 = arith.constant 0 : index
    %get3A_1084 = arith.constant 0 : index
    %get3A_1085 = vector.load %arg9[%get3A_1082, %get3A_1083, %get3A_1084] : memref<2x256x128xf32, #tpu.memory_space<vmem>>, vector<1x256x128xf32>
    %get3A_1086 = vector.shape_cast %get3A_1085 : vector<1x256x128xf32> to vector<256x128xf32>
    %dot_general3A_1087 = arith.constant dense<0.000000e+00> : vector<256x512xf32>
    %dot_general3A_1088 = tpu.matmul %get3A_1086, %max3A_1081, %dot_general3A_1087 {dimension_numbers = #tpu.dot_dimension_numbers<[1], [0], [0], [1], [0, 0, 1, 1], [], []>, transpose_lhs_hint = false} : vector<256x128xf32>, vector<128x512xf32>, vector<256x512xf32> -> vector<256x512xf32>
    %get3A_1089 = arith.constant 0 : index
    %get3A_1090 = arith.constant 0 : index
    %get3A_1091 = arith.constant 0 : index
    %get3A_1092 = vector.load %arg10[%get3A_1089, %get3A_1090, %get3A_1091] : memref<2x256x1xf32, #tpu.memory_space<vmem>>, vector<1x256x1xf32>
    %get3A_1093 = vector.shape_cast %get3A_1092 : vector<1x256x1xf32> to vector<256x1xf32>
    %add3A_1094 = vector.broadcast %get3A_1093 : vector<256x1xf32> to vector<256x512xf32>
    %add3A_1095 = arith.addf %dot_general3A_1088, %add3A_1094 : vector<256x512xf32>
    %swap3A = arith.constant 0 : index
    %swap3A_1096 = arith.constant 0 : index
    %swap3A_1097 = arith.constant 0 : index
    %swap3A_1098 = vector.load %arg11[%swap3A, %swap3A_1096, %swap3A_1097] : memref<2x256x512xf32, #tpu.memory_space<vmem>>, vector<1x256x512xf32>
    %swap3A_1099 = vector.shape_cast %swap3A_1098 : vector<1x256x512xf32> to vector<256x512xf32>
    %swap3A_1100 = vector.shape_cast %add3A_1095 : vector<256x512xf32> to vector<1x256x512xf32>
    tpu.vector_store %arg11[%swap3A, %swap3A_1096, %swap3A_1097], %swap3A_1100 {strides = array<i32>} : memref<2x256x512xf32, #tpu.memory_space<vmem>>, vector<1x256x512xf32>,
    %get3A_1101 = arith.constant 1 : index
    %get3A_1102 = arith.constant 0 : index
    %get3A_1103 = arith.constant 0 : index
    %get3A_1104 = vector.load %arg7[%get3A_1101, %get3A_1102, %get3A_1103] : memref<2x128x1024xf32, #tpu.memory_space<vmem>>, vector<1x128x1024xf32>
    %get3A_1105 = vector.shape_cast %get3A_1104 : vector<1x128x1024xf32> to vector<128x1024xf32>
    %dot_general3A_1106 = arith.constant dense<0.000000e+00> : vector<128x512xf32>
    %dot_general3A_1107 = tpu.matmul %get3A_1105, %mul3A_1063, %dot_general3A_1106 {dimension_numbers = #tpu.dot_dimension_numbers<[1], [0], [0], [1], [0, 0, 1, 1], [], []>, transpose_lhs_hint = false} : vector<128x1024xf32>, vector<1024x512xf32>, vector<128x512xf32> -> vector<128x512xf32>
    %get3A_1108 = arith.constant 1 : index
    %get3A_1109 = arith.constant 0 : index
    %get3A_1110 = arith.constant 0 : index
    %get3A_1111 = vector.load %arg8[%get3A_1108, %get3A_1109, %get3A_1110] : memref<2x128x1xf32, #tpu.memory_space<vmem>>, vector<1x128x1xf32>
    %get3A_1112 = vector.shape_cast %get3A_1111 : vector<1x128x1xf32> to vector<128x1xf32>
    %add3A_1113 = vector.broadcast %get3A_1112 : vector<128x1xf32> to vector<128x512xf32>
    %add3A_1114 = arith.addf %dot_general3A_1107, %add3A_1113 : vector<128x512xf32>
    %add3A_1115 = arith.addf %get3A_1, %add3A_1114 : vector<128x512xf32>
    %max3A_1116 = arith.constant 0.000000e+00 : f32
    %max3A_1117 = vector.broadcast %max3A_1116 : f32 to vector<128x512xf32>
    %max3A_1118 = arith.maximumf %add3A_1115, %max3A_1117 : vector<128x512xf32>
    %get3A_1119 = arith.constant 1 : index
    %get3A_1120 = arith.constant 0 : index
    %get3A_1121 = arith.constant 0 : index
    %get3A_1122 = vector.load %arg9[%get3A_1119, %get3A_1120, %get3A_1121] : memref<2x256x128xf32, #tpu.memory_space<vmem>>, vector<1x256x128xf32>
    %get3A_1123 = vector.shape_cast %get3A_1122 : vector<1x256x128xf32> to vector<256x128xf32>
    %dot_general3A_1124 = arith.constant dense<0.000000e+00> : vector<256x512xf32>
    %dot_general3A_1125 = tpu.matmul %get3A_1123, %max3A_1118, %dot_general3A_1124 {dimension_numbers = #tpu.dot_dimension_numbers<[1], [0], [0], [1], [0, 0, 1, 1], [], []>, transpose_lhs_hint = false} : vector<256x128xf32>, vector<128x512xf32>, vector<256x512xf32> -> vector<256x512xf32>
    %get3A_1126 = arith.constant 1 : index
    %get3A_1127 = arith.constant 0 : index
    %get3A_1128 = arith.constant 0 : index
    %get3A_1129 = vector.load %arg10[%get3A_1126, %get3A_1127, %get3A_1128] : memref<2x256x1xf32, #tpu.memory_space<vmem>>, vector<1x256x1xf32>
    %get3A_1130 = vector.shape_cast %get3A_1129 : vector<1x256x1xf32> to vector<256x1xf32>
    %add3A_1131 = vector.broadcast %get3A_1130 : vector<256x1xf32> to vector<256x512xf32>
    %add3A_1132 = arith.addf %dot_general3A_1125, %add3A_1131 : vector<256x512xf32>
    %swap3A_1133 = arith.constant 1 : index
    %swap3A_1134 = arith.constant 0 : index
    %swap3A_1135 = arith.constant 0 : index
    %swap3A_1136 = vector.load %arg11[%swap3A_1133, %swap3A_1134, %swap3A_1135] : memref<2x256x512xf32, #tpu.memory_space<vmem>>, vector<1x256x512xf32>
    %swap3A_1137 = vector.shape_cast %swap3A_1136 : vector<1x256x512xf32> to vector<256x512xf32>
    %swap3A_1138 = vector.shape_cast %add3A_1132 : vector<256x512xf32> to vector<1x256x512xf32>
    tpu.vector_store %arg11[%swap3A_1133, %swap3A_1134, %swap3A_1135], %swap3A_1138 {strides = array<i32>} : memref<2x256x512xf32, #tpu.memory_space<vmem>>, vector<1x256x512xf32>,
    return
  }
  func.func @transform_0(%arg0: i32) -> (i32, i32) {
    %c0_i32 = arith.constant 0 : i32
    %c0_i32_0 = arith.constant 0 : i32
    return %c0_i32, %arg0 : i32, i32
  }
  func.func @transform_1(%arg0: i32) -> (i32, i32, i32) {
    %c0_i32 = arith.constant 0 : i32
    %c0_i32_0 = arith.constant 0 : i32
    %c0_i32_1 = arith.constant 0 : i32
    return %c0_i32, %arg0, %c0_i32_0 : i32, i32, i32
  }
  func.func @transform_2(%arg0: i32) -> (i32, i32) {
    %c0_i32 = arith.constant 0 : i32
    %c0_i32_0 = arith.constant 0 : i32
    %c0_i32_1 = arith.constant 0 : i32
    return %c0_i32, %c0_i32_0 : i32, i32
  }
  func.func @transform_3(%arg0: i32) -> (i32, i32) {
    %c0_i32 = arith.constant 0 : i32
    %c0_i32_0 = arith.constant 0 : i32
    %c0_i32_1 = arith.constant 0 : i32
    return %c0_i32, %c0_i32_0 : i32, i32
  }
  func.func @transform_4(%arg0: i32) -> (i32, i32) {
    %c0_i32 = arith.constant 0 : i32
    %c0_i32_0 = arith.constant 0 : i32
    %c0_i32_1 = arith.constant 0 : i32
    return %c0_i32, %c0_i32_0 : i32, i32
  }
  func.func @transform_5(%arg0: i32) -> (i32, i32) {
    %c0_i32 = arith.constant 0 : i32
    %c0_i32_0 = arith.constant 0 : i32
    %c0_i32_1 = arith.constant 0 : i32
    return %c0_i32, %c0_i32_0 : i32, i32
  }
  func.func @transform_6(%arg0: i32) -> (i32, i32, i32) {
    %c0_i32 = arith.constant 0 : i32
    %c0_i32_0 = arith.constant 0 : i32
    %c0_i32_1 = arith.constant 0 : i32
    %c0_i32_2 = arith.constant 0 : i32
    return %c0_i32, %c0_i32_0, %c0_i32_1 : i32, i32, i32
  }
  func.func @transform_7(%arg0: i32) -> (i32, i32, i32) {
    %c0_i32 = arith.constant 0 : i32
    %c0_i32_0 = arith.constant 0 : i32
    %c0_i32_1 = arith.constant 0 : i32
    %c0_i32_2 = arith.constant 0 : i32
    return %c0_i32, %c0_i32_0, %c0_i32_1 : i32, i32, i32
  }
  func.func @transform_8(%arg0: i32) -> (i32, i32, i32) {
    %c0_i32 = arith.constant 0 : i32
    %c0_i32_0 = arith.constant 0 : i32
    %c0_i32_1 = arith.constant 0 : i32
    %c0_i32_2 = arith.constant 0 : i32
    return %c0_i32, %c0_i32_0, %c0_i32_1 : i32, i32, i32
  }
  func.func @transform_9(%arg0: i32) -> (i32, i32, i32) {
    %c0_i32 = arith.constant 0 : i32
    %c0_i32_0 = arith.constant 0 : i32
    %c0_i32_1 = arith.constant 0 : i32
    %c0_i32_2 = arith.constant 0 : i32
    return %c0_i32, %c0_i32_0, %c0_i32_1 : i32, i32, i32
  }
  func.func @transform_10(%arg0: i32) -> (i32, i32, i32) {
    %c0_i32 = arith.constant 0 : i32
    %c0_i32_0 = arith.constant 0 : i32
    %c0_i32_1 = arith.constant 0 : i32
    return %c0_i32, %c0_i32_0, %arg0 : i32, i32, i32
  }
}

</mosaic_0001>

<sc_bundles>
// kernel: kernel.5.cloned.1.call-start
scs
__scs_entry_jumppad:
0x0: {  	(pc) =	sbr.rel $0x88, $3  }
0x1: {  	(tag) =	ssettag $0x0;
	lr =	simm.s32 $0x1  }
0x2: {  	[smem:$0x3F97] =	sst lr;
	_ =	strace $0xD0000000  }
0x3: {  	_ = 	snop  }
0x4: {  	_ = 	snop  }
0x5: {  	_ = 	snop  }
0x6: {  	_ = 	snop  }
0x7: {  	_ = 	snop  }
__scs_overlays_trampoline_lowered:
0x8: {  	[smem:$0x3FA6] =	sst s0  }
0x9: {  	[smem:$0x3FA7] =	sst s1  }
0xa: {  	[smem:$0x3FA8] =	sst s2  }
0xb: {  	[smem:$0x3FA9] =	sst s3  }
0xc: {  	[smem:$0x3FAA] =	sst s4  }
0xd: {  	[smem:$0x3FAB] =	sst s5  }
0xe: {  	[smem:$0x3FAC] =	sst s6  }
0xf: {  	[smem:$0x3FAD] =	sst s7  }
0x10: {  	[smem:$0x3FAE] =	sst s8  }
0x11: {  	[smem:$0x3FAF] =	sst s9;
	s0 =	simm.s32 @!p0 $0x0  }
0x12: {  	s1 =	sld [smem:$0x3F95];
	s0 =	simm.s32 @p0 $0x1  }
0x13: {  	[smem:$0x3FB0] =	sst s0;
	s0 =	simm.s32 @!p1 $0x0  }
0x14: {  	s2 =	sld [smem:$0x3F94];
	s0 =	simm.s32 @p1 $0x1  }
0x15: {  	[smem:$0x3FB1] =	sst s0;
	s0 =	simm.s32 @!p2 $0x0  }
0x16: {  	s3 =	sld [smem:$0x3FDB];
	s0 =	simm.s32 @p2 $0x1  }
0x17: {  	s4 =	simm.s32 $0x1BF5;
	[smem:$0x3FB3] =	sst s0  }
0x18: {  	s0 =	sld [smem:$0x3F96];
	_ =	swait.ge [sflag:s4], $0x0  }
0x19: {  	s7 =	sld [smem:$0x3F97]  }
0x1a: {  	s8 =	sadd.s32 $0xFFFFE003, lr  }
0x1b: {  	s9 =	sadd.s32 $0xFFFFFEF7, lr;
	s5 =	simm.s32 $0xFFFFFFFF;
	p2 =	slt.u32 s8, $0xFFFFF086  }
0x1c: {  	p1 =	slt.u32 s9, $0xF7A;
	s5 =	simm.s32 @!p2 $0x0  }
0x1d: {  	s5 =	simm.s32 @p1 $0x1;
	p0 =	seq.s32 s7, s2  }
0x1e: {  	s7 =	smul.u32 @!p0 $0xF7A, s2;
	p2 =	seq.s32 @!p0 s5, $0x0  }
0x1f: {  	s9 =	smul.u32 $0xF7A, s1;
	s8 =	simm.s32 @!p0 $0x1BF5;
	p2 =	por !p2, p0  }
0x20: {  	[sflag:s8] =	ssyncset.s32 @!p0 $0xFFFFF086;
	s6 =	sadd.s32 @!p0 s3, s7;
	s7 =	simm.s32 @!p0 $0x108  }
0x21: {  	s3 =	sadd.s32 s3, s9;
	s6 =	sadd.s32 @!p0 $0x88, s6;
	s7 =	simm.s32 @p2 $0x1082  }
0x22: {  	[simem:s7], [sflag:s8] =	dma.local @!p0 [hbm:s6], $0xF7A  }
0x23: {  	s9 =	sor.u32 $0xD0000000, s2;
	s6 =	simm.s32 $0x108;
	_ =	swait.ge @!p0 [sflag:s8], $0x0  }
0x24: {  	s3 =	sadd.s32 $0x88, s3;
	s6 =	simm.s32 @!p1 $0x1082;
	[sflag:s4] =	ssyncset.s32 $0xFFFFF086  }
0x25: {  	[simem:s6], [sflag:s4] =	dma.local [hbm:s3], $0xF7A  }
0x26: {  	[smem:$0x3F97] =	sst s1;
	(tag) =	ssettag s2;
	_ =	strace s9  }
0x27: {  	s1 =	sld [smem:$0x3FA7]  }
0x28: {  	s2 =	sld [smem:$0x3FA8]  }
0x29: {  	s4 =	sld [smem:$0x3FAA]  }
0x2a: {  	p0 =	seq.s32 s5, $0x0;
	s5 =	sld [smem:$0x3FAB]  }
0x2b: {  	s6 =	sld [smem:$0x3FAC]  }
0x2c: {  	s7 =	sld [smem:$0x3FAD]  }
0x2d: {  	s3 =	simm.s32 $0x108;
	s8 =	sld [smem:$0x3FAE]  }
0x2e: {  	s3 =	simm.s32 @!p0 $0x1082;
	s9 =	sld [smem:$0x3FAF]  }
0x2f: {  	lr =	sadd.s32 s0, s3;
	s0 =	sld [smem:$0x3FA6]  }
0x30: {  	s3 =	sld [smem:$0x3FA9]  }
0x31: {  	[smem:$0x3FB2] =	sst s10  }
0x32: {  	s10 =	sld [smem:$0x3FB0];
	_ =	sdelay $0x3  }
0x33: {  	p0 =	seq.s32 s10, $0x1;
	s10 =	sld [smem:$0x3FB2];
	_ =	sdelay $0x3  }
0x34: {  	[smem:$0x3FB2] =	sst s10  }
0x35: {  	s10 =	sld [smem:$0x3FB1];
	_ =	sdelay $0x3  }
0x36: {  	p1 =	seq.s32 s10, $0x1;
	s10 =	sld [smem:$0x3FB2];
	_ =	sdelay $0x3  }
0x37: {  	[smem:$0x3FB2] =	sst s10  }
0x38: {  	s10 =	sld [smem:$0x3FB3]  }
0x39: {  	_ = 	snop;
	(pc) =	sbr.ind lr, $3  }
0x3a: {  	_ = 	snop  }
0x3b: {  	_ = 	snop  }
0x3c: {  	p2 =	seq.s32 s10, $0x1;
	s10 =	sld [smem:$0x3FB2]  }
0x3d: {  	_ =	shalt  }
0x3e: {  	_ =	shalt  }
0x3f: {  	_ =	shalt  }
0x40: {  	_ =	shalt  }
0x41: {  	_ =	shalt  }
0x42: {  	_ =	shalt  }
0x43: {  	_ =	shalt  }
0x44: {  	_ =	shalt  }
0x45: {  	_ =	shalt  }
0x46: {  	_ =	shalt  }
0x47: {  	_ =	shalt  }
0x48: {  	_ =	shalt  }
0x49: {  	_ =	shalt  }
0x4a: {  	_ =	shalt  }
0x4b: {  	_ =	shalt  }
0x4c: {  	_ =	shalt  }
0x4d: {  	_ =	shalt  }
0x4e: {  	_ =	shalt  }
0x4f: {  	_ =	shalt  }
0x50: {  	_ =	shalt  }
0x51: {  	_ =	shalt  }
0x52: {  	_ =	shalt  }
0x53: {  	_ =	shalt  }
0x54: {  	_ =	shalt  }
0x55: {  	_ =	shalt  }
0x56: {  	_ =	shalt  }
0x57: {  	_ =	shalt  }
0x58: {  	_ =	shalt  }
0x59: {  	_ =	shalt  }
0x5a: {  	_ =	shalt  }
0x5b: {  	_ =	shalt  }
0x5c: {  	_ =	shalt  }
0x5d: {  	_ =	shalt  }
0x5e: {  	_ =	shalt  }
0x5f: {  	_ =	shalt  }
0x60: {  	_ =	shalt  }
0x61: {  	_ =	shalt  }
0x62: {  	_ =	shalt  }
0x63: {  	_ =	shalt  }
0x64: {  	_ =	shalt  }
0x65: {  	_ =	shalt  }
0x66: {  	_ =	shalt  }
0x67: {  	_ =	shalt  }
0x68: {  	_ =	shalt  }
0x69: {  	_ =	shalt  }
0x6a: {  	_ =	shalt  }
0x6b: {  	_ =	shalt  }
0x6c: {  	_ =	shalt  }
0x6d: {  	_ =	shalt  }
0x6e: {  	_ =	shalt  }
0x6f: {  	_ =	shalt  }
0x70: {  	_ =	shalt  }
0x71: {  	_ =	shalt  }
0x72: {  	_ =	shalt  }
0x73: {  	_ =	shalt  }
0x74: {  	_ =	shalt  }
0x75: {  	_ =	shalt  }
0x76: {  	_ =	shalt  }
0x77: {  	_ =	shalt  }
0x78: {  	_ =	shalt  }
0x79: {  	_ =	shalt  }
0x7a: {  	_ =	shalt  }
0x7b: {  	_ =	shalt  }
0x7c: {  	_ =	shalt  }
0x7d: {  	_ =	shalt  }
0x7e: {  	_ =	shalt  }
0x7f: {  	_ =	shalt  }
0x80: {  	_ =	shalt  }
0x81: {  	_ =	shalt  }
0x82: {  	_ =	shalt  }
0x83: {  	_ =	shalt  }
0x84: {  	_ =	shalt  }
0x85: {  	_ =	shalt  }
0x86: {  	_ =	shalt  }
0x87: {  	_ =	shalt  }
.Lfunc_end0:
.L_simem_size_0:
called_computation_lowered:
.L_overlay_start_0:
0x88: {  	s2 =	sld [smem:$0x3FD9]  }
0x89: {  	s3 =	sld [smem:$0x3FFE];
	_ =	sdelay $0x1  }
0x8a: {  	s1 =	srdreg.scid  }
0x8b: {  	s0 =	sand.u32 $0x1, s1  }
0x8c: {  	s17 =	sshll.u32 s0, $0xA;
	s2 =	sadd.s32 s3, s2  }
0x8d: {  	s2 =	sadd.s32 s2, s17  }
0x8e: {  	[smem:$0x3FBE] =	sst s2  }
0x8f: {  	_ = 	snop  }
0x90: {  	s2 =	sld [smem:$0x3FD0];
	(tm) =	ssettm $0x1  }
0x91: {  	s18 =	sld [smem:$0x3FFB];
	_ =	sdelay $0x3  }
0x92: {  	_ =	strace s18  }
0x93: {  	s3 =	sld [smem:$0x3FFC];
	_ =	sdelay $0x3  }
0x94: {  	_ =	strace s3  }
0x95: {  	s3 =	sld [smem:$0x3FFD];
	_ =	sdelay $0x3  }
0x96: {  	_ =	strace s3  }
0x97: {  	_ =	strace $0x8FFFFFFF  }
0x98: {  	s19 =	sld [smem:$0x3FDB];
	_ =	sdelay $0x1  }
0x99: {  	s4 =	simm.s32 $_scs_section_size  }
0x9a: {  	s5 =	simm.s32 $_size__tile_overlayer_lowered;
	s6 =	simm.s32 $_tile_overlayer_lowered  }
0x9b: {  	s22 =	simm.s32 $0x1BFF;
	s21 =	sshll.u32 s6, $0x1;
	s3 =	sadd.s32 s4, s19  }
0x9c: {  	s7 =	simm.s32 $0x0;
	s20 =	sshll.u32 s5, $0x1;
	s5 =	sadd.s32 s21, s3  }
0x9d: {  	[timem:s7], [sflag:s22] =	dma.local [hbm:s5], s20  }
0x9e: {  	_ =	swait.ge [sflag:s22], s20  }
0x9f: {  	s4 =	ssub.s32 $0x0, s20;
	[sflag:s22] =	ssyncset.done $0x0  }
0xa0: {  	[sflag:s22] =	ssyncadd.s32 s4;
	_ =	sdelay $0x1  }
0xa1: {  	s23 =	simm.s32 $0x1B8B  }
0xa2: {  	_ =	swait.ge [sflag:s23], $0x1  }
0xa3: {  	[sflag:s23] =	ssyncset.done $0x0  }
0xa4: {  	s25 =	simm.s32 $0x1B8E;
	s24 =	sld [smem:$0x3FFE];
	[sflag:s23] =	ssyncadd.s32 $0xFFFFFFFF  }
0xa5: {  	s26 =	simm.s32 $execute0_lowered;
	[smem:$0x3FD2] =	sst s25  }
0xa6: {  	s5 =	sshll.u32 s26, $0x1;
	_ =	strace $0x80000046;
	[dreg:$0x1] =	wrdreg $0xFFFFFFFF  }
0xa7: {  	s28 =	simm.s32 $_size_execute0_lowered;
	s3 =	sadd.s32 s3, s5;
	[dreg:$0x0] =	wrdreg $0x0  }
0xa8: {  	s5 =	sshll.u32 s28, $0x1;
	[dreg:$0x2] =	wrdreg s3  }
0xa9: {  	[dreg:$0x3] =	wrdreg s5  }
0xaa: {  	[dreg:$0x4] =	wrdreg $0xC0  }
0xab: {  	_ =	task [dreg:s7], $0x5FFFF  }
0xac: {  	[dreg:$0x1] =	wrdreg $0xFFFFFFFF  }
0xad: {  	[dreg:$0x0] =	wrdreg $0x60  }
0xae: {  	[dreg:$0x2] =	wrdreg s2  }
0xaf: {  	[dreg:$0x3] =	wrdreg s24  }
0xb0: {  	[dreg:$0x4] =	wrdreg $0x9  }
0xb1: {  	_ =	task.clear_ibuf [dreg:s7], $0x5FFFF;
	_ =	strace $0x90000046  }
0xb2: {  	s29 =	simm.s32 $0x9;
	_ =	strace $0x80000048  }
0xb3: {  	_ =	swait.ge [sflag:s29], $0x1  }
0xb4: {  	[sflag:s29] =	ssyncadd.s32 $0xFFFFFFFF  }
0xb5: {  	_ =	strace $0x90000048  }
0xb6: {  	_ =	sfence  }
0xb7: {  	s30 =	sld [smem:$0x0];
	_ =	sdelay $0x2  }
0xb8: {  	s31 =	sshll.u32 s1, $0xD;
	s1 =	sshrl.u32 s1, $0x2  }
0xb9: {  	s3 =	sand.u32 $0x4000, s31;
	s1 =	sadd.s32 s1, s30  }
0xba: {  	s0 =	sor.u32 s3, s0;
	s1 =	sshll.u32 s1, $0x11  }
0xbb: {  	s0 =	sor.u32 s1, s0  }
0xbc: {  	s0 =	sadd.s32 $0x8F2B, s0  }
0xbd: {  	[sflag:s0] =	ssyncadd.remote.s32 $0x1  }
0xbe: {  	_ =	sfence.sel $0xFFFF  }
0xbf: {  	[dreg:$0x0] =	wrdreg $0xFFFFFFFF;
	(pc) =	sbr.abs _section_cstart, $3  }
0xc0: {  	[dreg:$0x1] =	wrdreg $0xFFFFFFFF  }
0xc1: {  	_ =	task.clear_ibuf [dreg:s7], $0x2FFFF;
	_ =	strace $0x9FFFFFFF  }
0xc2: {  	(tm) =	ssettm $0x7FFFFFFF  }
0xc3: {  	_ =	shalt  }
tec
execute0_lowered:
.L_overlay_start_1:
0x0: {  	(tag) =	ssettag $0x1  }
0x1: {  	s1 =	srdreg.scid  }
0x2: {  	s0 =	stileid.u32;
	s2 =	rddreg [dreg:$0x0]  }
0x3: {  	s6 =	rddreg [dreg:$0x1];
	s3 =	simm.s32 $0x0;
	s8 =	simm.s32 $0x9  }
0x4: {  	s9 =	simm.s32 $0x1400;
	s10 =	simm.s32 $0x80;
	s11 =	simm.s32 $0x2800  }
0x5: {  	s12 =	simm.s32 $0x6800;
	s13 =	simm.s32 $0x100;
	s14 =	simm.s32 $0xA800  }
0x6: {  	s15 =	simm.s32 $0x180;
	s16 =	simm.s32 $0xE800;
	s17 =	simm.s32 $0x1  }
0x7: {  	s18 =	simm.s32 $0x2;
	s19 =	simm.s32 $0x3;
	s20 =	simm.s32 $0x4  }
0x8: {  	s21 =	simm.s32 $0x5;
	s22 =	simm.s32 $0x6;
	s23 =	simm.s32 $0x7  }
0x9: {  	s24 =	simm.s32 $0x8;
	s1 =	sand.u32 $0x1, s1;
	s4 =	smul.u32 $0x50, s0  }
0xa: {  	s25 =	simm.s32 $0x2600;
	s26 =	simm.s32 $0x2680;
	s5 =	smul.u32 $0x28, s1  }
0xb: {  	s28 =	simm.s32 $0x2700;
	s29 =	simm.s32 $0x2780;
	s30 =	simm.s32 $0x0  }
0xc: {  	[smem:$0x7FF] =	sst s3;
	s1 =	ssub.s32 $0x2, s1;
	s4 =	sadd.s32 s5, s4  }
0xd: {  	_ =	strace $0x80000047;
	s31 =	sshrl.u32 s1, $0x1;
	s4 =	sshll.u32 s4, $0x4  }
0xe: {  	s1 =	ssub.s32 s1, s31;
	s7 =	sadd.s32 s4, s6;
	s4 =	sadd.s32 $0xC800, s6  }
0xf: {  	s5 =	sadd.s32 $0x7400, s7;
	s6 =	sadd.s32 $0x2000, s7;
	s7 =	smax.u32 s1, $0x1  }
.LBB2_1:
0x10: {  	[tilespmem:s3], [sflag:$0x9] =	stream.linear.gather [hbm4b:s5+s3], $0x1400, $0x38;
	[tilespmem:$0x12800] =	vst v63  }
0x11: {  	_ =	swait.ge [sflag:s8], $0x1400  }
0x12: {  	[sflag:s8] =	ssyncset.done $0x0  }
0x13: {  	[sflag:s8] =	ssyncadd.s32 $0xFFFFEC00  }
0x14: {  	[tilespmem:s9], [sflag:$0x9] =	stream.linear.gather [hbm4b:s6+s3], $0x1400, $0x38;
	[tilespmem:$0x12800] =	vst v63  }
0x15: {  	_ =	swait.ge [sflag:s8], $0x1400  }
0x16: {  	[sflag:s8] =	ssyncset.done $0x0  }
0x17: {  	[sflag:s8] =	ssyncadd.s32 $0xFFFFEC00  }
0x18: {  	[tilespmem:s11], [sflag:$0x1] =	stream.indirect.gather [hbm4b:s2+s10], $0x80, s3, s10, $0xb8;
	[tilespmem:$0x12800] =	vst v63  }
0x19: {  	_ = 	snop  }
0x1a: {  	[tilespmem:s12], [sflag:$0x2] =	stream.indirect.gather [hbm4b:s2+s10], $0x80, s10, s10, $0xb8;
	[tilespmem:$0x12800] =	vst v63  }
0x1b: {  	_ = 	snop  }
0x1c: {  	[tilespmem:s14], [sflag:$0x3] =	stream.indirect.gather [hbm4b:s2+s10], $0x80, s13, s10, $0xb8;
	[tilespmem:$0x12800] =	vst v63  }
0x1d: {  	_ = 	snop  }
0x1e: {  	[tilespmem:s16], [sflag:$0x4] =	stream.indirect.gather [hbm4b:s2+s10], $0x80, s15, s10, $0xb8;
	[tilespmem:$0x12800] =	vst v63  }
0x1f: {  	_ =	swait.ge [sflag:s17], $0x4000  }
0x20: {  	[sflag:s17] =	ssyncset.done $0x0  }
0x21: {  	s1 =	simm.s32 $0x1400;
	[sflag:s17] =	ssyncadd.s32 $0xFFFFC000  }
0x22: {  	[hbm4b:s4+s10] =	stream.indirect.scatter [tilespmem:s11], [sflag:$0x5], $0x80, s1, s10, $0xb8;
	[tilespmem:$0x12800] =	vst v63  }
0x23: {  	_ =	swait.ge [sflag:s18], $0x4000  }
0x24: {  	[sflag:s18] =	ssyncset.done $0x0  }
0x25: {  	s0 =	simm.s32 $0x1480;
	[sflag:s18] =	ssyncadd.s32 $0xFFFFC000  }
0x26: {  	[hbm4b:s4+s10] =	stream.indirect.scatter [tilespmem:s12], [sflag:$0x6], $0x80, s0, s10, $0xb8;
	[tilespmem:$0x12800] =	vst v63  }
0x27: {  	_ =	swait.ge [sflag:s19], $0x4000  }
0x28: {  	[sflag:s19] =	ssyncset.done $0x0  }
0x29: {  	s0 =	simm.s32 $0x1500;
	[sflag:s19] =	ssyncadd.s32 $0xFFFFC000  }
0x2a: {  	[hbm4b:s4+s10] =	stream.indirect.scatter [tilespmem:s14], [sflag:$0x7], $0x80, s0, s10, $0xb8;
	[tilespmem:$0x12800] =	vst v63  }
0x2b: {  	_ =	swait.ge [sflag:s20], $0x4000  }
0x2c: {  	[sflag:s20] =	ssyncset.done $0x0  }
0x2d: {  	s0 =	simm.s32 $0x1580;
	[sflag:s20] =	ssyncadd.s32 $0xFFFFC000  }
0x2e: {  	[hbm4b:s4+s10] =	stream.indirect.scatter [tilespmem:s16], [sflag:$0x8], $0x80, s0, s10, $0xb8;
	[tilespmem:$0x12800] =	vst v63  }
0x2f: {  	_ =	swait.ge [sflag:s21], $0x4000  }
0x30: {  	[sflag:s21] =	ssyncset.done $0x0  }
0x31: {  	s0 =	simm.s32 $0x200;
	[sflag:s21] =	ssyncadd.s32 $0xFFFFC000  }
0x32: {  	[tilespmem:s11], [sflag:$0x1] =	stream.indirect.gather [hbm4b:s2+s10], $0x80, s0, s10, $0xb8;
	[tilespmem:$0x12800] =	vst v63  }
0x33: {  	_ =	swait.ge [sflag:s22], $0x4000  }
0x34: {  	[sflag:s22] =	ssyncset.done $0x0  }
0x35: {  	s0 =	simm.s32 $0x280;
	[sflag:s22] =	ssyncadd.s32 $0xFFFFC000  }
0x36: {  	[tilespmem:s12], [sflag:$0x2] =	stream.indirect.gather [hbm4b:s2+s10], $0x80, s0, s10, $0xb8;
	[tilespmem:$0x12800] =	vst v63  }
0x37: {  	_ =	swait.ge [sflag:s23], $0x4000  }
0x38: {  	[sflag:s23] =	ssyncset.done $0x0  }
0x39: {  	s0 =	simm.s32 $0x300;
	[sflag:s23] =	ssyncadd.s32 $0xFFFFC000  }
0x3a: {  	[tilespmem:s14], [sflag:$0x3] =	stream.indirect.gather [hbm4b:s2+s10], $0x80, s0, s10, $0xb8;
	[tilespmem:$0x12800] =	vst v63  }
0x3b: {  	_ =	swait.ge [sflag:s24], $0x4000  }
0x3c: {  	[sflag:s24] =	ssyncset.done $0x0  }
0x3d: {  	s31 =	simm.s32 $0x800;
	s1 =	simm.s32 $0x380;
	[sflag:s24] =	ssyncadd.s32 $0xFFFFC000  }
.LBB2_2:
0x3e: {  	[tilespmem:s16], [sflag:$0x4] =	stream.indirect.gather [hbm4b:s2+s10], $0x80, s1, s10, $0xb8;
	[tilespmem:$0x12800] =	vst v63  }
0x3f: {  	s1 =	smov.u32 s31  }
0x40: {  	p0 =	sne.s32 s31, $0x4000;
	s31 =	sadd.s32 $0x800, s31;
	_ =	swait.ge [sflag:s17], $0x4000  }
0x41: {  	s1 =	sshra.s32 s1, $0x2;
	[sflag:s17] =	ssyncset.done $0x0  }
0x42: {  	s0 =	sadd.s32 $0x1400, s1;
	[sflag:s17] =	ssyncadd.s32 $0xFFFFC000  }
0x43: {  	[hbm4b:s4+s10] =	stream.indirect.scatter [tilespmem:s11], [sflag:$0x5], $0x80, s0, s10, $0xb8;
	[tilespmem:$0x12800] =	vst v63  }
0x44: {  	_ =	swait.ge [sflag:s18], $0x4000  }
0x45: {  	[sflag:s18] =	ssyncset.done $0x0  }
0x46: {  	s0 =	sadd.s32 $0x1480, s1;
	[sflag:s18] =	ssyncadd.s32 $0xFFFFC000  }
0x47: {  	[hbm4b:s4+s10] =	stream.indirect.scatter [tilespmem:s12], [sflag:$0x6], $0x80, s0, s10, $0xb8;
	[tilespmem:$0x12800] =	vst v63  }
0x48: {  	_ =	swait.ge [sflag:s19], $0x4000  }
0x49: {  	[sflag:s19] =	ssyncset.done $0x0  }
0x4a: {  	s0 =	sadd.s32 $0x1500, s1;
	[sflag:s19] =	ssyncadd.s32 $0xFFFFC000  }
0x4b: {  	[hbm4b:s4+s10] =	stream.indirect.scatter [tilespmem:s14], [sflag:$0x7], $0x80, s0, s10, $0xb8;
	[tilespmem:$0x12800] =	vst v63  }
0x4c: {  	_ =	swait.ge [sflag:s20], $0x4000  }
0x4d: {  	[sflag:s20] =	ssyncset.done $0x0  }
0x4e: {  	s0 =	sadd.s32 $0x1580, s1;
	[sflag:s20] =	ssyncadd.s32 $0xFFFFC000  }
0x4f: {  	[hbm4b:s4+s10] =	stream.indirect.scatter [tilespmem:s16], [sflag:$0x8], $0x80, s0, s10, $0xb8;
	[tilespmem:$0x12800] =	vst v63  }
0x50: {  	_ =	swait.ge [sflag:s21], $0x4000  }
0x51: {  	[sflag:s21] =	ssyncset.done $0x0  }
0x52: {  	s0 =	sadd.s32 $0x200, s1;
	[sflag:s21] =	ssyncadd.s32 $0xFFFFC000  }
0x53: {  	[tilespmem:s11], [sflag:$0x1] =	stream.indirect.gather [hbm4b:s2+s10], $0x80, s0, s10, $0xb8;
	[tilespmem:$0x12800] =	vst v63  }
0x54: {  	_ =	swait.ge [sflag:s22], $0x4000  }
0x55: {  	[sflag:s22] =	ssyncset.done $0x0  }
0x56: {  	s0 =	sadd.s32 $0x280, s1;
	[sflag:s22] =	ssyncadd.s32 $0xFFFFC000  }
0x57: {  	[tilespmem:s12], [sflag:$0x2] =	stream.indirect.gather [hbm4b:s2+s10], $0x80, s0, s10, $0xb8;
	[tilespmem:$0x12800] =	vst v63  }
0x58: {  	_ =	swait.ge [sflag:s23], $0x4000  }
0x59: {  	[sflag:s23] =	ssyncset.done $0x0  }
.Ltmp0:
0x5a: {  	s0 =	sadd.s32 $0x300, s1;
	[sflag:s23] =	ssyncadd.s32 $0xFFFFC000;
	(pc) =	sbr.rel @p0 .LBB2_2-.Ltmp0, $4  }
0x5b: {  	[tilespmem:s14], [sflag:$0x3] =	stream.indirect.gather [hbm4b:s2+s10], $0x80, s0, s10, $0xb8;
	[tilespmem:$0x12800] =	vst v63  }
0x5c: {  	_ =	swait.ge [sflag:s24], $0x4000  }
0x5d: {  	[sflag:s24] =	ssyncset.done $0x0  }
0x5e: {  	s1 =	sadd.s32 $0x380, s1;
	[sflag:s24] =	ssyncadd.s32 $0xFFFFC000  }
0x5f: {  	[tilespmem:s16], [sflag:$0x4] =	stream.indirect.gather [hbm4b:s2+s10], $0x80, s1, s10, $0xb8;
	[tilespmem:$0x12800] =	vst v63  }
0x60: {  	_ =	swait.ge [sflag:s17], $0x4000  }
0x61: {  	[sflag:s17] =	ssyncset.done $0x0  }
0x62: {  	[sflag:s17] =	ssyncadd.s32 $0xFFFFC000  }
0x63: {  	[hbm4b:s4+s10] =	stream.indirect.scatter [tilespmem:s11], [sflag:$0x5], $0x80, s25, s10, $0xb8;
	[tilespmem:$0x12800] =	vst v63  }
0x64: {  	_ =	swait.ge [sflag:s18], $0x4000  }
0x65: {  	[sflag:s18] =	ssyncset.done $0x0  }
0x66: {  	[sflag:s18] =	ssyncadd.s32 $0xFFFFC000  }
0x67: {  	[hbm4b:s4+s10] =	stream.indirect.scatter [tilespmem:s12], [sflag:$0x6], $0x80, s26, s10, $0xb8;
	[tilespmem:$0x12800] =	vst v63  }
0x68: {  	_ =	swait.ge [sflag:s19], $0x4000  }
0x69: {  	[sflag:s19] =	ssyncset.done $0x0  }
0x6a: {  	[sflag:s19] =	ssyncadd.s32 $0xFFFFC000  }
0x6b: {  	[hbm4b:s4+s10] =	stream.indirect.scatter [tilespmem:s14], [sflag:$0x7], $0x80, s28, s10, $0xb8;
	[tilespmem:$0x12800] =	vst v63  }
0x6c: {  	_ =	swait.ge [sflag:s20], $0x4000  }
0x6d: {  	[sflag:s20] =	ssyncset.done $0x0  }
0x6e: {  	[sflag:s20] =	ssyncadd.s32 $0xFFFFC000  }
0x6f: {  	[hbm4b:s4+s10] =	stream.indirect.scatter [tilespmem:s16], [sflag:$0x8], $0x80, s29, s10, $0xb8;
	[tilespmem:$0x12800] =	vst v63  }
0x70: {  	_ =	swait.ge [sflag:s21], $0x4000  }
0x71: {  	[sflag:s21] =	ssyncset.done $0x0  }
0x72: {  	[sflag:s21] =	ssyncadd.s32 $0xFFFFC000  }
0x73: {  	_ =	swait.ge [sflag:s22], $0x4000  }
0x74: {  	[sflag:s22] =	ssyncset.done $0x0  }
0x75: {  	s30 =	sadd.s32 $0x1, s30;
	[sflag:s22] =	ssyncadd.s32 $0xFFFFC000  }
0x76: {  	p0 =	sne.s32 s30, s7;
	_ =	swait.ge [sflag:s23], $0x4000  }
.Ltmp1:
0x77: {  	[sflag:s23] =	ssyncset.done $0x0;
	(pc) =	sbr.rel @p0 .LBB2_1-.Ltmp1, $4  }
0x78: {  	[sflag:s23] =	ssyncadd.s32 $0xFFFFC000  }
0x79: {  	_ =	swait.ge [sflag:s24], $0x4000  }
0x7a: {  	[sflag:s24] =	ssyncset.done $0x0  }
0x7b: {  	[sflag:s24] =	ssyncadd.s32 $0xFFFFC000  }
0x7c: {  	_ =	sfence.sel $0x180000  }
0x7d: {  	[bflag:$0x0] =	sbarrier.arrive $0xFFFF  }
0x7e: {  	_ =	strace $0x90000047  }
0x7f: {  	s0 =	stileid.u32;
	[bflag:$0x2] =	sbarrier.arrive $0xFFFF  }
0x80: {  	p0 =	sne.s32 s0, $0x0;
	s0 =	rddreg [dreg:$0x2]  }
0x81: {  	s0 =	sadd.s32 @!p0 $0x100000, s0  }
0x82: {  	[sflag:s0] =	ssyncadd.tile.s32 @!p0 $0x1;
	_ =	shalt  }
.Lfunc_end2:
_tile_overlayer_lowered:
.L_overlay_start_2:
0x83: {  	(tag) =	ssettag $0x2  }
0x84: {  	s0 =	rddreg [dreg:$0x0];
	s2 =	stileid.u32  }
0x85: {  	s1 =	rddreg [dreg:$0x1];
	p0 =	sne.s32 s2, $0x0  }
0x86: {  	s3 =	rddreg [dreg:$0x2];
	[bflag:$0x3] =	sbarrier.arrive $0xFFFF;
	s2 =	simm.s32 @!p0 $0x1C09  }
0x87: {  	[timem:s3], [sflag:s2] =	dma.local @!p0 [hbm:s0], s1  }
0x88: {  	s0 =	simm.s32 @!p0 $0x9  }
0x89: {  	_ =	swait.ge @!p0 [sflag:s0], s1  }
0x8a: {  	s1 =	ssub.s32 @!p0 $0x0, s1;
	[sflag:s0] =	ssyncset.done @!p0 $0x0  }
0x8b: {  	[sflag:s0] =	ssyncadd.s32 @!p0 s1  }
0x8c: {  	[bflag:$0x3] =	sbarrier.arrive $0xFFFF  }
0x8d: {  	_ =	shalt  }

</sc_bundles>
